<compile_context>
chip_gen: v7x
topology: tpu7x:2x2x1
jax: 0.10.2.dev20260603
libtpu: 0.0.44.dev20260713+nightly
codegen_flags: <defaults>
</compile_context>

<pallas_src>
import functools

import jax
import jax.numpy as jnp
from jax import lax
from jax.experimental import pallas as pl
from jax.experimental.pallas import tpu as pltpu
from jax.experimental.pallas import tpu_sc as plsc

N_NODES = 10000
N_EDGES = 320000
IN_DIM = 128
HID = 64

NC = 2
NS = 16
NW = NC * NS
CH = 128
EPW = 10240
NCHUNK = EPW // CH
NB = 2
PF = 1
NROW = 10112
RPT = NROW // NS
EPAD = NW * EPW


def _sc_agg(table, src3, dst3, zeros_d, zeros_1, d, with_deg):
    mesh = plsc.VectorSubcoreMesh(core_axis_name="c", subcore_axis_name="s")

    out_type = [jax.ShapeDtypeStruct((NC, NROW, d), jnp.float32)]
    scratch = [
        pltpu.VMEM((NCHUNK, CH), jnp.int32),
        pltpu.VMEM((NCHUNK, CH), jnp.int32),
        pltpu.VMEM((NB, CH, d), jnp.float32),
        pltpu.VMEM_SHARED((NROW, d), jnp.float32),
    ]
    if with_deg:
        out_type.append(jax.ShapeDtypeStruct((NC, NS, NROW), jnp.float32))
        scratch.append(pltpu.VMEM((NROW,), jnp.float32))
    scratch.append(pltpu.VMEM_SHARED((NROW, d), jnp.float32))
    scratch.extend([pltpu.SemaphoreType.DMA] * (NB * 2))

    @functools.partial(
        pl.kernel, mesh=mesh, out_type=out_type, scratch_types=scratch,
        compiler_params=pltpu.CompilerParams(use_tc_tiling_on_sc=False,
                                             needs_layout_passes=False))
    def run(tbl, s3, d3, zd, z1, *rest):
        degp = None
        if with_deg:
            (acc_out, deg_out, idx_s, idx_d, rows, acc,
             degp, tblv, *sems) = rest
        else:
            (acc_out, idx_s, idx_d, rows, acc, tblv, *sems) = rest
        sem_g, sem_s = sems[:NB], sems[NB:]
        c = lax.axis_index("c")
        s = lax.axis_index("s")
        wid = s * NC + c
        ones16 = jnp.ones((16,), jnp.float32)
        pltpu.sync_copy(s3.at[wid], idx_s)
        pltpu.sync_copy(d3.at[wid], idx_d)
        pltpu.sync_copy(zd.at[pl.ds(s * RPT, RPT)],
                        acc.at[pl.ds(s * RPT, RPT)])
        pltpu.sync_copy(tbl.at[pl.ds(s * RPT, RPT)],
                        tblv.at[pl.ds(s * RPT, RPT)])
        if with_deg:
            pltpu.sync_copy(z1, degp)
        plsc.subcore_barrier()

        for b in range(PF):
            pltpu.async_copy(tblv.at[idx_s.at[b]], rows.at[b], sem_g[b])

        def group(g, carry):
            for b in range(NB):
                k = g * NB + b
                pltpu.make_async_copy(
                    tblv.at[idx_s.at[k]], rows.at[b], sem_g[b]).wait()
                pltpu.async_copy(
                    rows.at[b], acc.at[idx_d.at[k]], sem_s[b], add=True)
                if with_deg:
                    for h in range(CH // 16):
                        dv = idx_d[k, pl.ds(h * 16, 16)]
                        plsc.addupdate_scatter(degp, [dv], ones16)
                j = k + PF
                bp = (b + PF) % NB

                @pl.when(j < NCHUNK)
                def _():
                    @pl.when(j >= NB)
                    def _():
                        pltpu.make_async_copy(
                            rows.at[bp], acc.at[idx_d.at[j - NB]],
                            sem_s[bp]).wait()
                    pltpu.async_copy(tblv.at[idx_s.at[j]], rows.at[bp],
                                     sem_g[bp])
            return carry

        lax.fori_loop(0, NCHUNK // NB, group, 0)
        for b in range(NB):
            m = NCHUNK - NB + b
            pltpu.make_async_copy(
                rows.at[b], acc.at[idx_d.at[m]], sem_s[b]).wait()
        plsc.subcore_barrier()
        pltpu.sync_copy(acc.at[pl.ds(s * RPT, RPT)],
                        acc_out.at[c, pl.ds(s * RPT, RPT)])
        if with_deg:
            pltpu.sync_copy(degp, deg_out.at[c, s])

    return run(table, src3, dst3, zeros_d, zeros_1)


def _tc_proj(x, w_cat, b1r):
    def body(x_ref, w_ref, b_ref, p_ref, q_ref):
        y = lax.dot_general(x_ref[...], w_ref[...],
                            (((1,), (1,)), ((), ())),
                            preferred_element_type=jnp.float32)
        p_ref[...] = y[:, :HID]
        q_ref[...] = y[:, HID:] + b_ref[...]

    return pl.pallas_call(
        body,
        out_shape=[jax.ShapeDtypeStruct((N_NODES, HID), jnp.float32),
                   jax.ShapeDtypeStruct((N_NODES, HID), jnp.float32)],
    )(x, w_cat, b1r)


def _tc_mid(agg_parts, deg_parts, q1, w2_cat, b2r):
    def body(a_ref, g_ref, q_ref, w_ref, b_ref, p2_ref, q2_ref):
        agg = a_ref[0, :N_NODES, :] + a_ref[1, :N_NODES, :]
        deg = jnp.sum(g_ref[...].reshape(NW, NROW), axis=0)[:N_NODES]
        inv = 1.0 / jnp.maximum(deg, 1.0)
        h = jnp.maximum(agg * inv[:, None] + q_ref[...], 0.0)
        y = lax.dot_general(h, w_ref[...], (((1,), (1,)), ((), ())),
                            preferred_element_type=jnp.float32)
        p2_ref[...] = jnp.broadcast_to(y[:, 0:1], (N_NODES, 8))
        q2_ref[...] = jnp.broadcast_to(y[:, 1:2] + b_ref[...], (N_NODES, 8))

    return pl.pallas_call(
        body,
        out_shape=[jax.ShapeDtypeStruct((N_NODES, 8), jnp.float32),
                   jax.ShapeDtypeStruct((N_NODES, 8), jnp.float32)],
    )(agg_parts, deg_parts, q1, w2_cat, b2r)


def _tc_final(s2_parts, deg_parts, q2b):
    def body(s_ref, g_ref, q_ref, o_ref):
        s2 = s_ref[0, :N_NODES, 0] + s_ref[1, :N_NODES, 0]
        deg = jnp.sum(g_ref[...].reshape(NW, NROW), axis=0)[:N_NODES]
        z = s2 / jnp.maximum(deg, 1.0) + q_ref[:, 0]
        o_ref[...] = jax.nn.sigmoid(z)

    return pl.pallas_call(
        body,
        out_shape=jax.ShapeDtypeStruct((N_NODES,), jnp.float32),
    )(s2_parts, deg_parts, q2b)


def kernel(x, edge_index, W1_l, W1_r, b1, W2_l, W2_r, b2):
    src = edge_index[0].astype(jnp.int32)
    dst = edge_index[1].astype(jnp.int32)
    pad = EPAD - N_EDGES
    src3 = jnp.concatenate(
        [src, jnp.zeros((pad,), jnp.int32)]).reshape(NW, NCHUNK, CH)
    trash = N_NODES + (jnp.arange(pad, dtype=jnp.int32) % (NROW - N_NODES))
    dst3 = jnp.concatenate([dst, trash]).reshape(NW, NCHUNK, CH)

    w1_cat = jnp.concatenate([W1_l, W1_r], axis=0)
    b1r = b1.reshape(1, HID)
    w2_cat = jnp.concatenate([W2_l, W2_r], axis=0)
    b2r = b2.reshape(1, 1)
    zeros_d = jnp.zeros((NROW, HID), jnp.float32)
    zeros_8 = jnp.zeros((NROW, 8), jnp.float32)
    zeros_1 = jnp.zeros((NROW,), jnp.float32)

    p1, q1 = _tc_proj(x, w1_cat, b1r)
    p1p = jnp.concatenate(
        [p1, jnp.zeros((NROW - N_NODES, HID), jnp.float32)], axis=0)
    agg_parts, deg_parts = _sc_agg(
        p1p, src3, dst3, zeros_d, zeros_1, HID, True)
    p2b, q2b = _tc_mid(agg_parts, deg_parts, q1, w2_cat, b2r)
    p2p = jnp.concatenate(
        [p2b, jnp.zeros((NROW - N_NODES, 8), jnp.float32)], axis=0)
    (s2_parts,) = _sc_agg(
        p2p, src3, dst3, zeros_8, zeros_1, 8, False)
    return _tc_final(s2_parts, deg_parts, q2b)

# --- scband reference (transcript-rebuilt; emitter-appended) ---
"""Pipeline reference for scband-fraud-gnn-73495480369648 (READ-ONLY COPY).

The authoritative reference and input builder live on the scoring server;
editing this copy changes nothing except your own understanding.
"""

import jax, jax.numpy as jnp
import numpy as np

N_NODES = 10000
N_EDGES = 320000
IN_DIM = 128
HID = 64


def setup_inputs(seed: int = 0) -> dict:
    key = jax.random.key(seed)
    k_x, k1l, k1r, k2l, k2r, k_e = jax.random.split(key, 6)
    x = jax.random.normal(k_x, (N_NODES, IN_DIM), dtype=jnp.float32)
    edge_index = jax.random.randint(k_e, (2, N_EDGES), 0, N_NODES, dtype=jnp.int64)
    # SAGEConv params: out = lin_l(mean_neighbors) + lin_r(x) + b
    W1_l = jax.random.normal(k1l, (HID, IN_DIM), dtype=jnp.float32) / np.sqrt(IN_DIM)
    W1_r = jax.random.normal(k1r, (HID, IN_DIM), dtype=jnp.float32) / np.sqrt(IN_DIM)
    b1 = jnp.zeros((HID,), dtype=jnp.float32)
    W2_l = jax.random.normal(k2l, (1, HID), dtype=jnp.float32) / np.sqrt(HID)
    W2_r = jax.random.normal(k2r, (1, HID), dtype=jnp.float32) / np.sqrt(HID)
    b2 = jnp.zeros((1,), dtype=jnp.float32)
    return {"x": x, "edge_index": edge_index, "W1_l": W1_l, "W1_r": W1_r, "b1": b1,
            "W2_l": W2_l, "W2_r": W2_r, "b2": b2}


def _sage_conv(x, edge_index, W_l, W_r, b):
    src = edge_index[0]
    dst = edge_index[1]
    msgs = jnp.take(x, src, axis=0)                       # gather  [E, d]
    agg = jax.ops.segment_sum(msgs, dst, num_segments=N_NODES)   # scatter-add
    deg = jax.ops.segment_sum(jnp.ones((msgs.shape[0],), dtype=x.dtype), dst,
                              num_segments=N_NODES)
    mean = agg / jnp.clip(deg, 1.0)[:, None]              # mean aggregation
    return mean @ W_l.T + x @ W_r.T + b


def reference(x, edge_index, W1_l, W1_r, b1, W2_l, W2_r, b2):
    h = _sage_conv(x, edge_index, W1_l, W1_r, b1)
    h = jax.nn.relu(h)
    h = _sage_conv(h, edge_index, W2_l, W2_r, b2)
    return jnp.squeeze(jax.nn.sigmoid(h))

if __name__ == "__main__":
    import jax
    _d = setup_inputs()
    print(jax.jit(kernel)(*tuple(_d.values())))

</pallas_src>

<mosaic_0001>
#map = affine_map<(d0, d1) -> (0, 0)>
#map1 = affine_map<(d0, d1) -> (0, 0, 0)>
#map2 = affine_map<(d0, d1) -> (0)>
module attributes {stable_mosaic.version = 14 : i64} {
  func.func @run(%arg0: i32, %arg1: i32, %arg2: memref<10112x8xf32, #tpu.memory_space<hbm>>, %arg3: memref<32x80x128xi32, #tpu.memory_space<hbm>>, %arg4: memref<32x80x128xi32, #tpu.memory_space<hbm>>, %arg5: memref<10112x8xf32, #tpu.memory_space<hbm>>, %arg6: memref<10112xf32, #tpu.memory_space<hbm>>, %arg7: memref<2x10112x8xf32, #tpu.memory_space<hbm>>, %arg8: memref<80x128xi32, #tpu.memory_space<vmem>>, %arg9: memref<80x128xi32, #tpu.memory_space<vmem>>, %arg10: memref<2x128x8xf32, #tpu.memory_space<vmem>>, %arg11: memref<10112x8xf32, #tpu.memory_space<vmem_shared>>, %arg12: memref<10112x8xf32, #tpu.memory_space<vmem_shared>>, %arg13: memref<!tpu.dma_semaphore, #tpu.memory_space<semaphore_mem>>, %arg14: memref<!tpu.dma_semaphore, #tpu.memory_space<semaphore_mem>>, %arg15: memref<!tpu.dma_semaphore, #tpu.memory_space<semaphore_mem>>, %arg16: memref<!tpu.dma_semaphore, #tpu.memory_space<semaphore_mem>>) attributes {dimension_semantics = [#tpu.dimension_semantics<core_parallel>, #tpu.dimension_semantics<subcore_parallel>], iteration_bounds = array<i64: 2, 16>, scalar_prefetch = 0 : i64, scratch_operands = 9 : i64, tpu.core_type = #tpu.core_type<sc_vector_subcore>, window_params = [{transform_indices = #map}, {transform_indices = #map1}, {transform_indices = #map1}, {transform_indices = #map}, {transform_indices = #map2}, {transform_indices = #map1}]} {
    %mul3A = arith.constant 2 : i32
    %mul3A_0 = arith.muli %arg1, %mul3A : i32
    %add3A = arith.addi %mul3A_0, %arg0 : i32
    %broadcast_in_dim3A = arith.constant 1.000000e+00 : f32
    %broadcast_in_dim3A_1 = vector.broadcast %broadcast_in_dim3A : f32 to vector<16xf32>
    "tpu.region"() ({
      %run_scoped3A = tpu.sem_alloc : memref<!tpu.dma_semaphore, #tpu.memory_space<semaphore_mem>>
      %dma_start3A_54 = arith.constant 0 : i32
      %dma_start3A_55 = arith.constant 0 : i32
      %dma_start3A_56 = tpu.memref_slice %arg3[%add3A, %dma_start3A_54, %dma_start3A_55] : memref<32x80x128xi32, #tpu.memory_space<hbm>> -> memref<1x80x128xi32, #tpu.memory_space<hbm>>
      %dma_start3A_57 = tpu.memref_squeeze %dma_start3A_56 : memref<1x80x128xi32, #tpu.memory_space<hbm>> -> memref<80x128xi32, #tpu.memory_space<hbm>>
      %dma_start3A_58 = arith.constant 0 : i32
      %dma_start3A_59 = arith.constant 0 : i32
      %dma_start3A_60 = tpu.memref_slice %arg3[%add3A, %dma_start3A_58, %dma_start3A_59] : memref<32x80x128xi32, #tpu.memory_space<hbm>> -> memref<1x80x128xi32, #tpu.memory_space<hbm>>
      %dma_start3A_61 = tpu.memref_squeeze %dma_start3A_60 : memref<1x80x128xi32, #tpu.memory_space<hbm>> -> memref<80x128xi32, #tpu.memory_space<hbm>>
      tpu.enqueue_dma source(%dma_start3A_61 : memref<80x128xi32, #tpu.memory_space<hbm>>) target(%arg8 : memref<80x128xi32, #tpu.memory_space<vmem>>) target_semaphore(%run_scoped3A : memref<!tpu.dma_semaphore, #tpu.memory_space<semaphore_mem>>)
      %dma_wait3A_62 = arith.constant 0 : i32
      %dma_wait3A_63 = arith.constant 0 : i32
      %dma_wait3A_64 = tpu.memref_slice %arg3[%add3A, %dma_wait3A_62, %dma_wait3A_63] : memref<32x80x128xi32, #tpu.memory_space<hbm>> -> memref<1x80x128xi32, #tpu.memory_space<hbm>>
      %dma_wait3A_65 = tpu.memref_squeeze %dma_wait3A_64 : memref<1x80x128xi32, #tpu.memory_space<hbm>> -> memref<80x128xi32, #tpu.memory_space<hbm>>
      %dma_wait3A_66 = arith.constant 0 : i32
      %dma_wait3A_67 = arith.constant 0 : i32
      %dma_wait3A_68 = tpu.memref_slice %arg3[%add3A, %dma_wait3A_66, %dma_wait3A_67] : memref<32x80x128xi32, #tpu.memory_space<hbm>> -> memref<1x80x128xi32, #tpu.memory_space<hbm>>
      %dma_wait3A_69 = tpu.memref_squeeze %dma_wait3A_68 : memref<1x80x128xi32, #tpu.memory_space<hbm>> -> memref<80x128xi32, #tpu.memory_space<hbm>>
      tpu.wait_dma2 semaphore(%run_scoped3A : memref<!tpu.dma_semaphore, #tpu.memory_space<semaphore_mem>>) src(%dma_wait3A_69 : memref<80x128xi32, #tpu.memory_space<hbm>>) dst(%arg8 : memref<80x128xi32, #tpu.memory_space<vmem>>)
      tpu.yield
    }) : () -> ()
    "tpu.region"() ({
      %run_scoped3A = tpu.sem_alloc : memref<!tpu.dma_semaphore, #tpu.memory_space<semaphore_mem>>
      %dma_start3A_54 = arith.constant 0 : i32
      %dma_start3A_55 = arith.constant 0 : i32
      %dma_start3A_56 = tpu.memref_slice %arg4[%add3A, %dma_start3A_54, %dma_start3A_55] : memref<32x80x128xi32, #tpu.memory_space<hbm>> -> memref<1x80x128xi32, #tpu.memory_space<hbm>>
      %dma_start3A_57 = tpu.memref_squeeze %dma_start3A_56 : memref<1x80x128xi32, #tpu.memory_space<hbm>> -> memref<80x128xi32, #tpu.memory_space<hbm>>
      %dma_start3A_58 = arith.constant 0 : i32
      %dma_start3A_59 = arith.constant 0 : i32
      %dma_start3A_60 = tpu.memref_slice %arg4[%add3A, %dma_start3A_58, %dma_start3A_59] : memref<32x80x128xi32, #tpu.memory_space<hbm>> -> memref<1x80x128xi32, #tpu.memory_space<hbm>>
      %dma_start3A_61 = tpu.memref_squeeze %dma_start3A_60 : memref<1x80x128xi32, #tpu.memory_space<hbm>> -> memref<80x128xi32, #tpu.memory_space<hbm>>
      tpu.enqueue_dma source(%dma_start3A_61 : memref<80x128xi32, #tpu.memory_space<hbm>>) target(%arg9 : memref<80x128xi32, #tpu.memory_space<vmem>>) target_semaphore(%run_scoped3A : memref<!tpu.dma_semaphore, #tpu.memory_space<semaphore_mem>>)
      %dma_wait3A_62 = arith.constant 0 : i32
      %dma_wait3A_63 = arith.constant 0 : i32
      %dma_wait3A_64 = tpu.memref_slice %arg4[%add3A, %dma_wait3A_62, %dma_wait3A_63] : memref<32x80x128xi32, #tpu.memory_space<hbm>> -> memref<1x80x128xi32, #tpu.memory_space<hbm>>
      %dma_wait3A_65 = tpu.memref_squeeze %dma_wait3A_64 : memref<1x80x128xi32, #tpu.memory_space<hbm>> -> memref<80x128xi32, #tpu.memory_space<hbm>>
      %dma_wait3A_66 = arith.constant 0 : i32
      %dma_wait3A_67 = arith.constant 0 : i32
      %dma_wait3A_68 = tpu.memref_slice %arg4[%add3A, %dma_wait3A_66, %dma_wait3A_67] : memref<32x80x128xi32, #tpu.memory_space<hbm>> -> memref<1x80x128xi32, #tpu.memory_space<hbm>>
      %dma_wait3A_69 = tpu.memref_squeeze %dma_wait3A_68 : memref<1x80x128xi32, #tpu.memory_space<hbm>> -> memref<80x128xi32, #tpu.memory_space<hbm>>
      tpu.wait_dma2 semaphore(%run_scoped3A : memref<!tpu.dma_semaphore, #tpu.memory_space<semaphore_mem>>) src(%dma_wait3A_69 : memref<80x128xi32, #tpu.memory_space<hbm>>) dst(%arg9 : memref<80x128xi32, #tpu.memory_space<vmem>>)
      tpu.yield
    }) : () -> ()
    %mul3A_2 = arith.constant 632 : i32
    %mul3A_3 = arith.muli %arg1, %mul3A_2 : i32
    %mul3A_4 = arith.constant 632 : i32
    %mul3A_5 = arith.muli %arg1, %mul3A_4 : i32
    "tpu.region"() ({
      %run_scoped3A = tpu.sem_alloc : memref<!tpu.dma_semaphore, #tpu.memory_space<semaphore_mem>>
      %dma_start3A_54 = arith.constant 0 : i32
      %dma_start3A_55 = tpu.memref_slice %arg11[%mul3A_5, %dma_start3A_54] : memref<10112x8xf32, #tpu.memory_space<vmem_shared>> -> memref<632x8xf32, #tpu.memory_space<vmem_shared>>
      %dma_start3A_56 = arith.constant 0 : i32
      %dma_start3A_57 = tpu.memref_slice %arg5[%mul3A_3, %dma_start3A_56] : memref<10112x8xf32, #tpu.memory_space<hbm>> -> memref<632x8xf32, #tpu.memory_space<hbm>>
      tpu.enqueue_dma source(%dma_start3A_57 : memref<632x8xf32, #tpu.memory_space<hbm>>) target(%dma_start3A_55 : memref<632x8xf32, #tpu.memory_space<vmem_shared>>) target_semaphore(%run_scoped3A : memref<!tpu.dma_semaphore, #tpu.memory_space<semaphore_mem>>)
      %dma_wait3A_58 = arith.constant 0 : i32
      %dma_wait3A_59 = tpu.memref_slice %arg11[%mul3A_5, %dma_wait3A_58] : memref<10112x8xf32, #tpu.memory_space<vmem_shared>> -> memref<632x8xf32, #tpu.memory_space<vmem_shared>>
      %dma_wait3A_60 = arith.constant 0 : i32
      %dma_wait3A_61 = tpu.memref_slice %arg5[%mul3A_3, %dma_wait3A_60] : memref<10112x8xf32, #tpu.memory_space<hbm>> -> memref<632x8xf32, #tpu.memory_space<hbm>>
      tpu.wait_dma2 semaphore(%run_scoped3A : memref<!tpu.dma_semaphore, #tpu.memory_space<semaphore_mem>>) src(%dma_wait3A_61 : memref<632x8xf32, #tpu.memory_space<hbm>>) dst(%dma_wait3A_59 : memref<632x8xf32, #tpu.memory_space<vmem_shared>>)
      tpu.yield
    }) : () -> ()
    %mul3A_6 = arith.constant 632 : i32
    %mul3A_7 = arith.muli %arg1, %mul3A_6 : i32
    %mul3A_8 = arith.constant 632 : i32
    %mul3A_9 = arith.muli %arg1, %mul3A_8 : i32
    "tpu.region"() ({
      %run_scoped3A = tpu.sem_alloc : memref<!tpu.dma_semaphore, #tpu.memory_space<semaphore_mem>>
      %dma_start3A_54 = arith.constant 0 : i32
      %dma_start3A_55 = tpu.memref_slice %arg12[%mul3A_9, %dma_start3A_54] : memref<10112x8xf32, #tpu.memory_space<vmem_shared>> -> memref<632x8xf32, #tpu.memory_space<vmem_shared>>
      %dma_start3A_56 = arith.constant 0 : i32
      %dma_start3A_57 = tpu.memref_slice %arg2[%mul3A_7, %dma_start3A_56] : memref<10112x8xf32, #tpu.memory_space<hbm>> -> memref<632x8xf32, #tpu.memory_space<hbm>>
      tpu.enqueue_dma source(%dma_start3A_57 : memref<632x8xf32, #tpu.memory_space<hbm>>) target(%dma_start3A_55 : memref<632x8xf32, #tpu.memory_space<vmem_shared>>) target_semaphore(%run_scoped3A : memref<!tpu.dma_semaphore, #tpu.memory_space<semaphore_mem>>)
      %dma_wait3A_58 = arith.constant 0 : i32
      %dma_wait3A_59 = tpu.memref_slice %arg12[%mul3A_9, %dma_wait3A_58] : memref<10112x8xf32, #tpu.memory_space<vmem_shared>> -> memref<632x8xf32, #tpu.memory_space<vmem_shared>>
      %dma_wait3A_60 = arith.constant 0 : i32
      %dma_wait3A_61 = tpu.memref_slice %arg2[%mul3A_7, %dma_wait3A_60] : memref<10112x8xf32, #tpu.memory_space<hbm>> -> memref<632x8xf32, #tpu.memory_space<hbm>>
      tpu.wait_dma2 semaphore(%run_scoped3A : memref<!tpu.dma_semaphore, #tpu.memory_space<semaphore_mem>>) src(%dma_wait3A_61 : memref<632x8xf32, #tpu.memory_space<hbm>>) dst(%dma_wait3A_59 : memref<632x8xf32, #tpu.memory_space<vmem_shared>>)
      tpu.yield
    }) : () -> ()
    %barrier3A = arith.constant 0 : index
    tpu.barrier barrier_id(%barrier3A)
    %dma_start3A = arith.constant 0 : i32
    %dma_start3A_10 = arith.constant 0 : i32
    %dma_start3A_11 = arith.constant 0 : i32
    %dma_start3A_12 = arith.constant 0 : i32
    %dma_start3A_13 = tpu.memref_slice %arg10[%dma_start3A_10, %dma_start3A_11, %dma_start3A_12] : memref<2x128x8xf32, #tpu.memory_space<vmem>> -> memref<1x128x8xf32, #tpu.memory_space<vmem>>
    %dma_start3A_14 = tpu.memref_squeeze %dma_start3A_13 : memref<1x128x8xf32, #tpu.memory_space<vmem>> -> memref<128x8xf32, #tpu.memory_space<vmem>>
    %dma_start3A_15 = arith.constant 0 : i32
    %dma_start3A_16 = tpu.memref_slice %arg8[%dma_start3A, %dma_start3A_15] : memref<80x128xi32, #tpu.memory_space<vmem>> -> memref<1x128xi32, #tpu.memory_space<vmem>>
    %dma_start3A_17 = tpu.memref_squeeze %dma_start3A_16 : memref<1x128xi32, #tpu.memory_space<vmem>> -> memref<128xi32, #tpu.memory_space<vmem>>
    %dma_start3A_18 = arith.constant 0 : i32
    %dma_start3A_19 = arith.constant 0 : i32
    %dma_start3A_20 = tpu.memref_slice %arg12[%dma_start3A_18, %dma_start3A_19] : memref<10112x8xf32, #tpu.memory_space<vmem_shared>> -> memref<10112x8xf32, #tpu.memory_space<vmem_shared>>
    tpu.enqueue_indirect_dma source(%dma_start3A_20 : memref<10112x8xf32, #tpu.memory_space<vmem_shared>>) target(%dma_start3A_14 : memref<128x8xf32, #tpu.memory_space<vmem>>) offsets(%dma_start3A_17 : memref<128xi32, #tpu.memory_space<vmem>>) semaphore(%arg13 : memref<!tpu.dma_semaphore, #tpu.memory_space<semaphore_mem>>)
    %scan3A = arith.constant 0 : i32
    %scan3A_21 = arith.constant 0 : i32
    %scan3A_22 = arith.constant 40 : i32
    %scan3A_23 = arith.addi %scan3A_21, %scan3A_22 : i32
    %scan3A_24 = arith.constant 1 : i32
    scf.for %scan3A_54 = %scan3A_21 to %scan3A_23 step %scan3A_24  : i32 {
      %mul3A_55 = arith.constant 2 : i32
      %mul3A_56 = arith.muli %scan3A_54, %mul3A_55 : i32
      %add3A_57 = arith.constant 0 : i32
      %add3A_58 = arith.addi %mul3A_56, %add3A_57 : i32
      %dma_wait3A_59 = arith.constant 0 : i32
      %dma_wait3A_60 = arith.constant 0 : i32
      %dma_wait3A_61 = arith.constant 0 : i32
      %dma_wait3A_62 = tpu.memref_slice %arg10[%dma_wait3A_59, %dma_wait3A_60, %dma_wait3A_61] : memref<2x128x8xf32, #tpu.memory_space<vmem>> -> memref<1x128x8xf32, #tpu.memory_space<vmem>>
      %dma_wait3A_63 = tpu.memref_squeeze %dma_wait3A_62 : memref<1x128x8xf32, #tpu.memory_space<vmem>> -> memref<128x8xf32, #tpu.memory_space<vmem>>
      %dma_wait3A_64 = arith.constant 0 : i32
      %dma_wait3A_65 = tpu.memref_slice %arg8[%add3A_58, %dma_wait3A_64] : memref<80x128xi32, #tpu.memory_space<vmem>> -> memref<1x128xi32, #tpu.memory_space<vmem>>
      %dma_wait3A_66 = tpu.memref_squeeze %dma_wait3A_65 : memref<1x128xi32, #tpu.memory_space<vmem>> -> memref<128xi32, #tpu.memory_space<vmem>>
      %dma_wait3A_67 = arith.constant 0 : i32
      %dma_wait3A_68 = arith.constant 0 : i32
      %dma_wait3A_69 = tpu.memref_slice %arg12[%dma_wait3A_67, %dma_wait3A_68] : memref<10112x8xf32, #tpu.memory_space<vmem_shared>> -> memref<10112x8xf32, #tpu.memory_space<vmem_shared>>
      tpu.wait_indirect_dma semaphore(%arg13 : memref<!tpu.dma_semaphore, #tpu.memory_space<semaphore_mem>>) src(%dma_wait3A_69 : memref<10112x8xf32, #tpu.memory_space<vmem_shared>>) dst(%dma_wait3A_63 : memref<128x8xf32, #tpu.memory_space<vmem>>)
      %dma_start3A_70 = arith.constant 0 : i32
      %dma_start3A_71 = arith.constant 0 : i32
      %dma_start3A_72 = arith.constant 0 : i32
      %dma_start3A_73 = tpu.memref_slice %arg10[%dma_start3A_70, %dma_start3A_71, %dma_start3A_72] : memref<2x128x8xf32, #tpu.memory_space<vmem>> -> memref<1x128x8xf32, #tpu.memory_space<vmem>>
      %dma_start3A_74 = tpu.memref_squeeze %dma_start3A_73 : memref<1x128x8xf32, #tpu.memory_space<vmem>> -> memref<128x8xf32, #tpu.memory_space<vmem>>
      %dma_start3A_75 = arith.constant 0 : i32
      %dma_start3A_76 = tpu.memref_slice %arg9[%add3A_58, %dma_start3A_75] : memref<80x128xi32, #tpu.memory_space<vmem>> -> memref<1x128xi32, #tpu.memory_space<vmem>>
      %dma_start3A_77 = tpu.memref_squeeze %dma_start3A_76 : memref<1x128xi32, #tpu.memory_space<vmem>> -> memref<128xi32, #tpu.memory_space<vmem>>
      %dma_start3A_78 = arith.constant 0 : i32
      %dma_start3A_79 = arith.constant 0 : i32
      %dma_start3A_80 = tpu.memref_slice %arg11[%dma_start3A_78, %dma_start3A_79] : memref<10112x8xf32, #tpu.memory_space<vmem_shared>> -> memref<10112x8xf32, #tpu.memory_space<vmem_shared>>
      tpu.enqueue_indirect_dma source(%dma_start3A_74 : memref<128x8xf32, #tpu.memory_space<vmem>>) target(%dma_start3A_80 : memref<10112x8xf32, #tpu.memory_space<vmem_shared>>) offsets(%dma_start3A_77 : memref<128xi32, #tpu.memory_space<vmem>>) semaphore(%arg15 : memref<!tpu.dma_semaphore, #tpu.memory_space<semaphore_mem>>) {add = true}
      %add3A_81 = arith.constant 1 : i32
      %add3A_82 = arith.addi %add3A_58, %add3A_81 : i32
      %lt3A = arith.constant 80 : i32
      %lt3A_83 = arith.cmpi slt, %add3A_82, %lt3A : i32
      %convert_element_type3A = arith.extui %lt3A_83 : i1 to i32
      %cond3A = arith.constant 0 : i32
      %cond3A_84 = arith.cmpi ne, %convert_element_type3A, %cond3A : i32
      scf.if %cond3A_84 {
        %ge3A = arith.constant 2 : i32
        %ge3A_118 = arith.cmpi sge, %add3A_82, %ge3A : i32
        %convert_element_type3A_119 = arith.extui %ge3A_118 : i1 to i32
        %cond3A_120 = arith.constant 0 : i32
        %cond3A_121 = arith.cmpi ne, %convert_element_type3A_119, %cond3A_120 : i32
        scf.if %cond3A_121 {
          %sub3A = arith.constant 2 : i32
          %sub3A_133 = arith.subi %add3A_82, %sub3A : i32
          %dma_wait3A_134 = arith.constant 1 : i32
          %dma_wait3A_135 = arith.constant 0 : i32
          %dma_wait3A_136 = arith.constant 0 : i32
          %dma_wait3A_137 = tpu.memref_slice %arg10[%dma_wait3A_134, %dma_wait3A_135, %dma_wait3A_136] : memref<2x128x8xf32, #tpu.memory_space<vmem>> -> memref<1x128x8xf32, #tpu.memory_space<vmem>>
          %dma_wait3A_138 = tpu.memref_squeeze %dma_wait3A_137 : memref<1x128x8xf32, #tpu.memory_space<vmem>> -> memref<128x8xf32, #tpu.memory_space<vmem>>
          %dma_wait3A_139 = arith.constant 0 : i32
          %dma_wait3A_140 = tpu.memref_slice %arg9[%sub3A_133, %dma_wait3A_139] : memref<80x128xi32, #tpu.memory_space<vmem>> -> memref<1x128xi32, #tpu.memory_space<vmem>>
          %dma_wait3A_141 = tpu.memref_squeeze %dma_wait3A_140 : memref<1x128xi32, #tpu.memory_space<vmem>> -> memref<128xi32, #tpu.memory_space<vmem>>
          %dma_wait3A_142 = arith.constant 0 : i32
          %dma_wait3A_143 = arith.constant 0 : i32
          %dma_wait3A_144 = tpu.memref_slice %arg11[%dma_wait3A_142, %dma_wait3A_143] : memref<10112x8xf32, #tpu.memory_space<vmem_shared>> -> memref<10112x8xf32, #tpu.memory_space<vmem_shared>>
          tpu.wait_indirect_dma semaphore(%arg16 : memref<!tpu.dma_semaphore, #tpu.memory_space<semaphore_mem>>) src(%dma_wait3A_138 : memref<128x8xf32, #tpu.memory_space<vmem>>) dst(%dma_wait3A_144 : memref<10112x8xf32, #tpu.memory_space<vmem_shared>>)
        } else {
        }
        %dma_start3A_122 = arith.constant 1 : i32
        %dma_start3A_123 = arith.constant 0 : i32
        %dma_start3A_124 = arith.constant 0 : i32
        %dma_start3A_125 = tpu.memref_slice %arg10[%dma_start3A_122, %dma_start3A_123, %dma_start3A_124] : memref<2x128x8xf32, #tpu.memory_space<vmem>> -> memref<1x128x8xf32, #tpu.memory_space<vmem>>
        %dma_start3A_126 = tpu.memref_squeeze %dma_start3A_125 : memref<1x128x8xf32, #tpu.memory_space<vmem>> -> memref<128x8xf32, #tpu.memory_space<vmem>>
        %dma_start3A_127 = arith.constant 0 : i32
        %dma_start3A_128 = tpu.memref_slice %arg8[%add3A_82, %dma_start3A_127] : memref<80x128xi32, #tpu.memory_space<vmem>> -> memref<1x128xi32, #tpu.memory_space<vmem>>
        %dma_start3A_129 = tpu.memref_squeeze %dma_start3A_128 : memref<1x128xi32, #tpu.memory_space<vmem>> -> memref<128xi32, #tpu.memory_space<vmem>>
        %dma_start3A_130 = arith.constant 0 : i32
        %dma_start3A_131 = arith.constant 0 : i32
        %dma_start3A_132 = tpu.memref_slice %arg12[%dma_start3A_130, %dma_start3A_131] : memref<10112x8xf32, #tpu.memory_space<vmem_shared>> -> memref<10112x8xf32, #tpu.memory_space<vmem_shared>>
        tpu.enqueue_indirect_dma source(%dma_start3A_132 : memref<10112x8xf32, #tpu.memory_space<vmem_shared>>) target(%dma_start3A_126 : memref<128x8xf32, #tpu.memory_space<vmem>>) offsets(%dma_start3A_129 : memref<128xi32, #tpu.memory_space<vmem>>) semaphore(%arg14 : memref<!tpu.dma_semaphore, #tpu.memory_space<semaphore_mem>>)
      } else {
      }
      %mul3A_85 = arith.constant 2 : i32
      %mul3A_86 = arith.muli %scan3A_54, %mul3A_85 : i32
      %add3A_87 = arith.constant 1 : i32
      %add3A_88 = arith.addi %mul3A_86, %add3A_87 : i32
      %dma_wait3A_89 = arith.constant 1 : i32
      %dma_wait3A_90 = arith.constant 0 : i32
      %dma_wait3A_91 = arith.constant 0 : i32
      %dma_wait3A_92 = tpu.memref_slice %arg10[%dma_wait3A_89, %dma_wait3A_90, %dma_wait3A_91] : memref<2x128x8xf32, #tpu.memory_space<vmem>> -> memref<1x128x8xf32, #tpu.memory_space<vmem>>
      %dma_wait3A_93 = tpu.memref_squeeze %dma_wait3A_92 : memref<1x128x8xf32, #tpu.memory_space<vmem>> -> memref<128x8xf32, #tpu.memory_space<vmem>>
      %dma_wait3A_94 = arith.constant 0 : i32
      %dma_wait3A_95 = tpu.memref_slice %arg8[%add3A_88, %dma_wait3A_94] : memref<80x128xi32, #tpu.memory_space<vmem>> -> memref<1x128xi32, #tpu.memory_space<vmem>>
      %dma_wait3A_96 = tpu.memref_squeeze %dma_wait3A_95 : memref<1x128xi32, #tpu.memory_space<vmem>> -> memref<128xi32, #tpu.memory_space<vmem>>
      %dma_wait3A_97 = arith.constant 0 : i32
      %dma_wait3A_98 = arith.constant 0 : i32
      %dma_wait3A_99 = tpu.memref_slice %arg12[%dma_wait3A_97, %dma_wait3A_98] : memref<10112x8xf32, #tpu.memory_space<vmem_shared>> -> memref<10112x8xf32, #tpu.memory_space<vmem_shared>>
      tpu.wait_indirect_dma semaphore(%arg14 : memref<!tpu.dma_semaphore, #tpu.memory_space<semaphore_mem>>) src(%dma_wait3A_99 : memref<10112x8xf32, #tpu.memory_space<vmem_shared>>) dst(%dma_wait3A_93 : memref<128x8xf32, #tpu.memory_space<vmem>>)
      %dma_start3A_100 = arith.constant 1 : i32
      %dma_start3A_101 = arith.constant 0 : i32
      %dma_start3A_102 = arith.constant 0 : i32
      %dma_start3A_103 = tpu.memref_slice %arg10[%dma_start3A_100, %dma_start3A_101, %dma_start3A_102] : memref<2x128x8xf32, #tpu.memory_space<vmem>> -> memref<1x128x8xf32, #tpu.memory_space<vmem>>
      %dma_start3A_104 = tpu.memref_squeeze %dma_start3A_103 : memref<1x128x8xf32, #tpu.memory_space<vmem>> -> memref<128x8xf32, #tpu.memory_space<vmem>>
      %dma_start3A_105 = arith.constant 0 : i32
      %dma_start3A_106 = tpu.memref_slice %arg9[%add3A_88, %dma_start3A_105] : memref<80x128xi32, #tpu.memory_space<vmem>> -> memref<1x128xi32, #tpu.memory_space<vmem>>
      %dma_start3A_107 = tpu.memref_squeeze %dma_start3A_106 : memref<1x128xi32, #tpu.memory_space<vmem>> -> memref<128xi32, #tpu.memory_space<vmem>>
      %dma_start3A_108 = arith.constant 0 : i32
      %dma_start3A_109 = arith.constant 0 : i32
      %dma_start3A_110 = tpu.memref_slice %arg11[%dma_start3A_108, %dma_start3A_109] : memref<10112x8xf32, #tpu.memory_space<vmem_shared>> -> memref<10112x8xf32, #tpu.memory_space<vmem_shared>>
      tpu.enqueue_indirect_dma source(%dma_start3A_104 : memref<128x8xf32, #tpu.memory_space<vmem>>) target(%dma_start3A_110 : memref<10112x8xf32, #tpu.memory_space<vmem_shared>>) offsets(%dma_start3A_107 : memref<128xi32, #tpu.memory_space<vmem>>) semaphore(%arg16 : memref<!tpu.dma_semaphore, #tpu.memory_space<semaphore_mem>>) {add = true}
      %add3A_111 = arith.constant 1 : i32
      %add3A_112 = arith.addi %add3A_88, %add3A_111 : i32
      %lt3A_113 = arith.constant 80 : i32
      %lt3A_114 = arith.cmpi slt, %add3A_112, %lt3A_113 : i32
      %convert_element_type3A_115 = arith.extui %lt3A_114 : i1 to i32
      %cond3A_116 = arith.constant 0 : i32
      %cond3A_117 = arith.cmpi ne, %convert_element_type3A_115, %cond3A_116 : i32
      scf.if %cond3A_117 {
        %ge3A = arith.constant 2 : i32
        %ge3A_118 = arith.cmpi sge, %add3A_112, %ge3A : i32
        %convert_element_type3A_119 = arith.extui %ge3A_118 : i1 to i32
        %cond3A_120 = arith.constant 0 : i32
        %cond3A_121 = arith.cmpi ne, %convert_element_type3A_119, %cond3A_120 : i32
        scf.if %cond3A_121 {
          %sub3A = arith.constant 2 : i32
          %sub3A_133 = arith.subi %add3A_112, %sub3A : i32
          %dma_wait3A_134 = arith.constant 0 : i32
          %dma_wait3A_135 = arith.constant 0 : i32
          %dma_wait3A_136 = arith.constant 0 : i32
          %dma_wait3A_137 = tpu.memref_slice %arg10[%dma_wait3A_134, %dma_wait3A_135, %dma_wait3A_136] : memref<2x128x8xf32, #tpu.memory_space<vmem>> -> memref<1x128x8xf32, #tpu.memory_space<vmem>>
          %dma_wait3A_138 = tpu.memref_squeeze %dma_wait3A_137 : memref<1x128x8xf32, #tpu.memory_space<vmem>> -> memref<128x8xf32, #tpu.memory_space<vmem>>
          %dma_wait3A_139 = arith.constant 0 : i32
          %dma_wait3A_140 = tpu.memref_slice %arg9[%sub3A_133, %dma_wait3A_139] : memref<80x128xi32, #tpu.memory_space<vmem>> -> memref<1x128xi32, #tpu.memory_space<vmem>>
          %dma_wait3A_141 = tpu.memref_squeeze %dma_wait3A_140 : memref<1x128xi32, #tpu.memory_space<vmem>> -> memref<128xi32, #tpu.memory_space<vmem>>
          %dma_wait3A_142 = arith.constant 0 : i32
          %dma_wait3A_143 = arith.constant 0 : i32
          %dma_wait3A_144 = tpu.memref_slice %arg11[%dma_wait3A_142, %dma_wait3A_143] : memref<10112x8xf32, #tpu.memory_space<vmem_shared>> -> memref<10112x8xf32, #tpu.memory_space<vmem_shared>>
          tpu.wait_indirect_dma semaphore(%arg15 : memref<!tpu.dma_semaphore, #tpu.memory_space<semaphore_mem>>) src(%dma_wait3A_138 : memref<128x8xf32, #tpu.memory_space<vmem>>) dst(%dma_wait3A_144 : memref<10112x8xf32, #tpu.memory_space<vmem_shared>>)
        } else {
        }
        %dma_start3A_122 = arith.constant 0 : i32
        %dma_start3A_123 = arith.constant 0 : i32
        %dma_start3A_124 = arith.constant 0 : i32
        %dma_start3A_125 = tpu.memref_slice %arg10[%dma_start3A_122, %dma_start3A_123, %dma_start3A_124] : memref<2x128x8xf32, #tpu.memory_space<vmem>> -> memref<1x128x8xf32, #tpu.memory_space<vmem>>
        %dma_start3A_126 = tpu.memref_squeeze %dma_start3A_125 : memref<1x128x8xf32, #tpu.memory_space<vmem>> -> memref<128x8xf32, #tpu.memory_space<vmem>>
        %dma_start3A_127 = arith.constant 0 : i32
        %dma_start3A_128 = tpu.memref_slice %arg8[%add3A_112, %dma_start3A_127] : memref<80x128xi32, #tpu.memory_space<vmem>> -> memref<1x128xi32, #tpu.memory_space<vmem>>
        %dma_start3A_129 = tpu.memref_squeeze %dma_start3A_128 : memref<1x128xi32, #tpu.memory_space<vmem>> -> memref<128xi32, #tpu.memory_space<vmem>>
        %dma_start3A_130 = arith.constant 0 : i32
        %dma_start3A_131 = arith.constant 0 : i32
        %dma_start3A_132 = tpu.memref_slice %arg12[%dma_start3A_130, %dma_start3A_131] : memref<10112x8xf32, #tpu.memory_space<vmem_shared>> -> memref<10112x8xf32, #tpu.memory_space<vmem_shared>>
        tpu.enqueue_indirect_dma source(%dma_start3A_132 : memref<10112x8xf32, #tpu.memory_space<vmem_shared>>) target(%dma_start3A_126 : memref<128x8xf32, #tpu.memory_space<vmem>>) offsets(%dma_start3A_129 : memref<128xi32, #tpu.memory_space<vmem>>) semaphore(%arg13 : memref<!tpu.dma_semaphore, #tpu.memory_space<semaphore_mem>>)
      } else {
      }
    }
    %scan3A_25 = arith.constant 40 : i32
    %dma_wait3A = arith.constant 0 : i32
    %dma_wait3A_26 = arith.constant 78 : i32
    %dma_wait3A_27 = arith.constant 0 : i32
    %dma_wait3A_28 = arith.constant 0 : i32
    %dma_wait3A_29 = tpu.memref_slice %arg10[%dma_wait3A, %dma_wait3A_27, %dma_wait3A_28] : memref<2x128x8xf32, #tpu.memory_space<vmem>> -> memref<1x128x8xf32, #tpu.memory_space<vmem>>
    %dma_wait3A_30 = tpu.memref_squeeze %dma_wait3A_29 : memref<1x128x8xf32, #tpu.memory_space<vmem>> -> memref<128x8xf32, #tpu.memory_space<vmem>>
    %dma_wait3A_31 = arith.constant 0 : i32
    %dma_wait3A_32 = tpu.memref_slice %arg9[%dma_wait3A_26, %dma_wait3A_31] : memref<80x128xi32, #tpu.memory_space<vmem>> -> memref<1x128xi32, #tpu.memory_space<vmem>>
    %dma_wait3A_33 = tpu.memref_squeeze %dma_wait3A_32 : memref<1x128xi32, #tpu.memory_space<vmem>> -> memref<128xi32, #tpu.memory_space<vmem>>
    %dma_wait3A_34 = arith.constant 0 : i32
    %dma_wait3A_35 = arith.constant 0 : i32
    %dma_wait3A_36 = tpu.memref_slice %arg11[%dma_wait3A_34, %dma_wait3A_35] : memref<10112x8xf32, #tpu.memory_space<vmem_shared>> -> memref<10112x8xf32, #tpu.memory_space<vmem_shared>>
    tpu.wait_indirect_dma semaphore(%arg15 : memref<!tpu.dma_semaphore, #tpu.memory_space<semaphore_mem>>) src(%dma_wait3A_30 : memref<128x8xf32, #tpu.memory_space<vmem>>) dst(%dma_wait3A_36 : memref<10112x8xf32, #tpu.memory_space<vmem_shared>>)
    %dma_wait3A_37 = arith.constant 1 : i32
    %dma_wait3A_38 = arith.constant 79 : i32
    %dma_wait3A_39 = arith.constant 0 : i32
    %dma_wait3A_40 = arith.constant 0 : i32
    %dma_wait3A_41 = tpu.memref_slice %arg10[%dma_wait3A_37, %dma_wait3A_39, %dma_wait3A_40] : memref<2x128x8xf32, #tpu.memory_space<vmem>> -> memref<1x128x8xf32, #tpu.memory_space<vmem>>
    %dma_wait3A_42 = tpu.memref_squeeze %dma_wait3A_41 : memref<1x128x8xf32, #tpu.memory_space<vmem>> -> memref<128x8xf32, #tpu.memory_space<vmem>>
    %dma_wait3A_43 = arith.constant 0 : i32
    %dma_wait3A_44 = tpu.memref_slice %arg9[%dma_wait3A_38, %dma_wait3A_43] : memref<80x128xi32, #tpu.memory_space<vmem>> -> memref<1x128xi32, #tpu.memory_space<vmem>>
    %dma_wait3A_45 = tpu.memref_squeeze %dma_wait3A_44 : memref<1x128xi32, #tpu.memory_space<vmem>> -> memref<128xi32, #tpu.memory_space<vmem>>
    %dma_wait3A_46 = arith.constant 0 : i32
    %dma_wait3A_47 = arith.constant 0 : i32
    %dma_wait3A_48 = tpu.memref_slice %arg11[%dma_wait3A_46, %dma_wait3A_47] : memref<10112x8xf32, #tpu.memory_space<vmem_shared>> -> memref<10112x8xf32, #tpu.memory_space<vmem_shared>>
    tpu.wait_indirect_dma semaphore(%arg16 : memref<!tpu.dma_semaphore, #tpu.memory_space<semaphore_mem>>) src(%dma_wait3A_42 : memref<128x8xf32, #tpu.memory_space<vmem>>) dst(%dma_wait3A_48 : memref<10112x8xf32, #tpu.memory_space<vmem_shared>>)
    %barrier3A_49 = arith.constant 0 : index
    tpu.barrier barrier_id(%barrier3A_49)
    %mul3A_50 = arith.constant 632 : i32
    %mul3A_51 = arith.muli %arg1, %mul3A_50 : i32
    %mul3A_52 = arith.constant 632 : i32
    %mul3A_53 = arith.muli %arg1, %mul3A_52 : i32
    "tpu.region"() ({
      %run_scoped3A = tpu.sem_alloc : memref<!tpu.dma_semaphore, #tpu.memory_space<semaphore_mem>>
      %dma_start3A_54 = arith.constant 0 : i32
      %dma_start3A_55 = tpu.memref_slice %arg7[%arg0, %mul3A_53, %dma_start3A_54] : memref<2x10112x8xf32, #tpu.memory_space<hbm>> -> memref<1x632x8xf32, #tpu.memory_space<hbm>>
      %dma_start3A_56 = tpu.memref_squeeze %dma_start3A_55 : memref<1x632x8xf32, #tpu.memory_space<hbm>> -> memref<632x8xf32, #tpu.memory_space<hbm>>
      %dma_start3A_57 = arith.constant 0 : i32
      %dma_start3A_58 = tpu.memref_slice %arg11[%mul3A_51, %dma_start3A_57] : memref<10112x8xf32, #tpu.memory_space<vmem_shared>> -> memref<632x8xf32, #tpu.memory_space<vmem_shared>>
      tpu.enqueue_dma source(%dma_start3A_58 : memref<632x8xf32, #tpu.memory_space<vmem_shared>>) target(%dma_start3A_56 : memref<632x8xf32, #tpu.memory_space<hbm>>) target_semaphore(%run_scoped3A : memref<!tpu.dma_semaphore, #tpu.memory_space<semaphore_mem>>)
      %dma_wait3A_59 = arith.constant 0 : i32
      %dma_wait3A_60 = tpu.memref_slice %arg7[%arg0, %mul3A_53, %dma_wait3A_59] : memref<2x10112x8xf32, #tpu.memory_space<hbm>> -> memref<1x632x8xf32, #tpu.memory_space<hbm>>
      %dma_wait3A_61 = tpu.memref_squeeze %dma_wait3A_60 : memref<1x632x8xf32, #tpu.memory_space<hbm>> -> memref<632x8xf32, #tpu.memory_space<hbm>>
      %dma_wait3A_62 = arith.constant 0 : i32
      %dma_wait3A_63 = tpu.memref_slice %arg11[%mul3A_51, %dma_wait3A_62] : memref<10112x8xf32, #tpu.memory_space<vmem_shared>> -> memref<632x8xf32, #tpu.memory_space<vmem_shared>>
      tpu.wait_dma2 semaphore(%run_scoped3A : memref<!tpu.dma_semaphore, #tpu.memory_space<semaphore_mem>>) src(%dma_wait3A_63 : memref<632x8xf32, #tpu.memory_space<vmem_shared>>) dst(%dma_wait3A_61 : memref<632x8xf32, #tpu.memory_space<hbm>>)
      tpu.yield
    }) : () -> ()
    return
  }
}

#map = affine_map<(d0, d1) -> (0, 0)>
#map1 = affine_map<(d0, d1) -> (0, 0, 0)>
#map2 = affine_map<(d0, d1) -> (0)>
module attributes {stable_mosaic.version = 14 : i64} {
  func.func @run(%arg0: i32, %arg1: i32, %arg2: memref<10112x64xf32, #tpu.memory_space<hbm>>, %arg3: memref<32x80x128xi32, #tpu.memory_space<hbm>>, %arg4: memref<32x80x128xi32, #tpu.memory_space<hbm>>, %arg5: memref<10112x64xf32, #tpu.memory_space<hbm>>, %arg6: memref<10112xf32, #tpu.memory_space<hbm>>, %arg7: memref<2x10112x64xf32, #tpu.memory_space<hbm>>, %arg8: memref<2x16x10112xf32, #tpu.memory_space<hbm>>, %arg9: memref<80x128xi32, #tpu.memory_space<vmem>>, %arg10: memref<80x128xi32, #tpu.memory_space<vmem>>, %arg11: memref<2x128x64xf32, #tpu.memory_space<vmem>>, %arg12: memref<10112x64xf32, #tpu.memory_space<vmem_shared>>, %arg13: memref<10112xf32, #tpu.memory_space<vmem>>, %arg14: memref<10112x64xf32, #tpu.memory_space<vmem_shared>>, %arg15: memref<!tpu.dma_semaphore, #tpu.memory_space<semaphore_mem>>, %arg16: memref<!tpu.dma_semaphore, #tpu.memory_space<semaphore_mem>>, %arg17: memref<!tpu.dma_semaphore, #tpu.memory_space<semaphore_mem>>, %arg18: memref<!tpu.dma_semaphore, #tpu.memory_space<semaphore_mem>>) attributes {dimension_semantics = [#tpu.dimension_semantics<core_parallel>, #tpu.dimension_semantics<subcore_parallel>], iteration_bounds = array<i64: 2, 16>, scalar_prefetch = 0 : i64, scratch_operands = 10 : i64, tpu.core_type = #tpu.core_type<sc_vector_subcore>, window_params = [{transform_indices = #map}, {transform_indices = #map1}, {transform_indices = #map1}, {transform_indices = #map}, {transform_indices = #map2}, {transform_indices = #map1}, {transform_indices = #map1}]} {
    %mul3A = arith.constant 2 : i32
    %mul3A_0 = arith.muli %arg1, %mul3A : i32
    %add3A = arith.addi %mul3A_0, %arg0 : i32
    %broadcast_in_dim3A = arith.constant 1.000000e+00 : f32
    %broadcast_in_dim3A_1 = vector.broadcast %broadcast_in_dim3A : f32 to vector<16xf32>
    "tpu.region"() ({
      %run_scoped3A = tpu.sem_alloc : memref<!tpu.dma_semaphore, #tpu.memory_space<semaphore_mem>>
      %dma_start3A_54 = arith.constant 0 : i32
      %dma_start3A_55 = arith.constant 0 : i32
      %dma_start3A_56 = tpu.memref_slice %arg3[%add3A, %dma_start3A_54, %dma_start3A_55] : memref<32x80x128xi32, #tpu.memory_space<hbm>> -> memref<1x80x128xi32, #tpu.memory_space<hbm>>
      %dma_start3A_57 = tpu.memref_squeeze %dma_start3A_56 : memref<1x80x128xi32, #tpu.memory_space<hbm>> -> memref<80x128xi32, #tpu.memory_space<hbm>>
      %dma_start3A_58 = arith.constant 0 : i32
      %dma_start3A_59 = arith.constant 0 : i32
      %dma_start3A_60 = tpu.memref_slice %arg3[%add3A, %dma_start3A_58, %dma_start3A_59] : memref<32x80x128xi32, #tpu.memory_space<hbm>> -> memref<1x80x128xi32, #tpu.memory_space<hbm>>
      %dma_start3A_61 = tpu.memref_squeeze %dma_start3A_60 : memref<1x80x128xi32, #tpu.memory_space<hbm>> -> memref<80x128xi32, #tpu.memory_space<hbm>>
      tpu.enqueue_dma source(%dma_start3A_61 : memref<80x128xi32, #tpu.memory_space<hbm>>) target(%arg9 : memref<80x128xi32, #tpu.memory_space<vmem>>) target_semaphore(%run_scoped3A : memref<!tpu.dma_semaphore, #tpu.memory_space<semaphore_mem>>)
      %dma_wait3A_62 = arith.constant 0 : i32
      %dma_wait3A_63 = arith.constant 0 : i32
      %dma_wait3A_64 = tpu.memref_slice %arg3[%add3A, %dma_wait3A_62, %dma_wait3A_63] : memref<32x80x128xi32, #tpu.memory_space<hbm>> -> memref<1x80x128xi32, #tpu.memory_space<hbm>>
      %dma_wait3A_65 = tpu.memref_squeeze %dma_wait3A_64 : memref<1x80x128xi32, #tpu.memory_space<hbm>> -> memref<80x128xi32, #tpu.memory_space<hbm>>
      %dma_wait3A_66 = arith.constant 0 : i32
      %dma_wait3A_67 = arith.constant 0 : i32
      %dma_wait3A_68 = tpu.memref_slice %arg3[%add3A, %dma_wait3A_66, %dma_wait3A_67] : memref<32x80x128xi32, #tpu.memory_space<hbm>> -> memref<1x80x128xi32, #tpu.memory_space<hbm>>
      %dma_wait3A_69 = tpu.memref_squeeze %dma_wait3A_68 : memref<1x80x128xi32, #tpu.memory_space<hbm>> -> memref<80x128xi32, #tpu.memory_space<hbm>>
      tpu.wait_dma2 semaphore(%run_scoped3A : memref<!tpu.dma_semaphore, #tpu.memory_space<semaphore_mem>>) src(%dma_wait3A_69 : memref<80x128xi32, #tpu.memory_space<hbm>>) dst(%arg9 : memref<80x128xi32, #tpu.memory_space<vmem>>)
      tpu.yield
    }) : () -> ()
    "tpu.region"() ({
      %run_scoped3A = tpu.sem_alloc : memref<!tpu.dma_semaphore, #tpu.memory_space<semaphore_mem>>
      %dma_start3A_54 = arith.constant 0 : i32
      %dma_start3A_55 = arith.constant 0 : i32
      %dma_start3A_56 = tpu.memref_slice %arg4[%add3A, %dma_start3A_54, %dma_start3A_55] : memref<32x80x128xi32, #tpu.memory_space<hbm>> -> memref<1x80x128xi32, #tpu.memory_space<hbm>>
      %dma_start3A_57 = tpu.memref_squeeze %dma_start3A_56 : memref<1x80x128xi32, #tpu.memory_space<hbm>> -> memref<80x128xi32, #tpu.memory_space<hbm>>
      %dma_start3A_58 = arith.constant 0 : i32
      %dma_start3A_59 = arith.constant 0 : i32
      %dma_start3A_60 = tpu.memref_slice %arg4[%add3A, %dma_start3A_58, %dma_start3A_59] : memref<32x80x128xi32, #tpu.memory_space<hbm>> -> memref<1x80x128xi32, #tpu.memory_space<hbm>>
      %dma_start3A_61 = tpu.memref_squeeze %dma_start3A_60 : memref<1x80x128xi32, #tpu.memory_space<hbm>> -> memref<80x128xi32, #tpu.memory_space<hbm>>
      tpu.enqueue_dma source(%dma_start3A_61 : memref<80x128xi32, #tpu.memory_space<hbm>>) target(%arg10 : memref<80x128xi32, #tpu.memory_space<vmem>>) target_semaphore(%run_scoped3A : memref<!tpu.dma_semaphore, #tpu.memory_space<semaphore_mem>>)
      %dma_wait3A_62 = arith.constant 0 : i32
      %dma_wait3A_63 = arith.constant 0 : i32
      %dma_wait3A_64 = tpu.memref_slice %arg4[%add3A, %dma_wait3A_62, %dma_wait3A_63] : memref<32x80x128xi32, #tpu.memory_space<hbm>> -> memref<1x80x128xi32, #tpu.memory_space<hbm>>
      %dma_wait3A_65 = tpu.memref_squeeze %dma_wait3A_64 : memref<1x80x128xi32, #tpu.memory_space<hbm>> -> memref<80x128xi32, #tpu.memory_space<hbm>>
      %dma_wait3A_66 = arith.constant 0 : i32
      %dma_wait3A_67 = arith.constant 0 : i32
      %dma_wait3A_68 = tpu.memref_slice %arg4[%add3A, %dma_wait3A_66, %dma_wait3A_67] : memref<32x80x128xi32, #tpu.memory_space<hbm>> -> memref<1x80x128xi32, #tpu.memory_space<hbm>>
      %dma_wait3A_69 = tpu.memref_squeeze %dma_wait3A_68 : memref<1x80x128xi32, #tpu.memory_space<hbm>> -> memref<80x128xi32, #tpu.memory_space<hbm>>
      tpu.wait_dma2 semaphore(%run_scoped3A : memref<!tpu.dma_semaphore, #tpu.memory_space<semaphore_mem>>) src(%dma_wait3A_69 : memref<80x128xi32, #tpu.memory_space<hbm>>) dst(%arg10 : memref<80x128xi32, #tpu.memory_space<vmem>>)
      tpu.yield
    }) : () -> ()
    %mul3A_2 = arith.constant 632 : i32
    %mul3A_3 = arith.muli %arg1, %mul3A_2 : i32
    %mul3A_4 = arith.constant 632 : i32
    %mul3A_5 = arith.muli %arg1, %mul3A_4 : i32
    "tpu.region"() ({
      %run_scoped3A = tpu.sem_alloc : memref<!tpu.dma_semaphore, #tpu.memory_space<semaphore_mem>>
      %dma_start3A_54 = arith.constant 0 : i32
      %dma_start3A_55 = tpu.memref_slice %arg12[%mul3A_5, %dma_start3A_54] : memref<10112x64xf32, #tpu.memory_space<vmem_shared>> -> memref<632x64xf32, #tpu.memory_space<vmem_shared>>
      %dma_start3A_56 = arith.constant 0 : i32
      %dma_start3A_57 = tpu.memref_slice %arg5[%mul3A_3, %dma_start3A_56] : memref<10112x64xf32, #tpu.memory_space<hbm>> -> memref<632x64xf32, #tpu.memory_space<hbm>>
      tpu.enqueue_dma source(%dma_start3A_57 : memref<632x64xf32, #tpu.memory_space<hbm>>) target(%dma_start3A_55 : memref<632x64xf32, #tpu.memory_space<vmem_shared>>) target_semaphore(%run_scoped3A : memref<!tpu.dma_semaphore, #tpu.memory_space<semaphore_mem>>)
      %dma_wait3A_58 = arith.constant 0 : i32
      %dma_wait3A_59 = tpu.memref_slice %arg12[%mul3A_5, %dma_wait3A_58] : memref<10112x64xf32, #tpu.memory_space<vmem_shared>> -> memref<632x64xf32, #tpu.memory_space<vmem_shared>>
      %dma_wait3A_60 = arith.constant 0 : i32
      %dma_wait3A_61 = tpu.memref_slice %arg5[%mul3A_3, %dma_wait3A_60] : memref<10112x64xf32, #tpu.memory_space<hbm>> -> memref<632x64xf32, #tpu.memory_space<hbm>>
      tpu.wait_dma2 semaphore(%run_scoped3A : memref<!tpu.dma_semaphore, #tpu.memory_space<semaphore_mem>>) src(%dma_wait3A_61 : memref<632x64xf32, #tpu.memory_space<hbm>>) dst(%dma_wait3A_59 : memref<632x64xf32, #tpu.memory_space<vmem_shared>>)
      tpu.yield
    }) : () -> ()
    %mul3A_6 = arith.constant 632 : i32
    %mul3A_7 = arith.muli %arg1, %mul3A_6 : i32
    %mul3A_8 = arith.constant 632 : i32
    %mul3A_9 = arith.muli %arg1, %mul3A_8 : i32
    "tpu.region"() ({
      %run_scoped3A = tpu.sem_alloc : memref<!tpu.dma_semaphore, #tpu.memory_space<semaphore_mem>>
      %dma_start3A_54 = arith.constant 0 : i32
      %dma_start3A_55 = tpu.memref_slice %arg14[%mul3A_9, %dma_start3A_54] : memref<10112x64xf32, #tpu.memory_space<vmem_shared>> -> memref<632x64xf32, #tpu.memory_space<vmem_shared>>
      %dma_start3A_56 = arith.constant 0 : i32
      %dma_start3A_57 = tpu.memref_slice %arg2[%mul3A_7, %dma_start3A_56] : memref<10112x64xf32, #tpu.memory_space<hbm>> -> memref<632x64xf32, #tpu.memory_space<hbm>>
      tpu.enqueue_dma source(%dma_start3A_57 : memref<632x64xf32, #tpu.memory_space<hbm>>) target(%dma_start3A_55 : memref<632x64xf32, #tpu.memory_space<vmem_shared>>) target_semaphore(%run_scoped3A : memref<!tpu.dma_semaphore, #tpu.memory_space<semaphore_mem>>)
      %dma_wait3A_58 = arith.constant 0 : i32
      %dma_wait3A_59 = tpu.memref_slice %arg14[%mul3A_9, %dma_wait3A_58] : memref<10112x64xf32, #tpu.memory_space<vmem_shared>> -> memref<632x64xf32, #tpu.memory_space<vmem_shared>>
      %dma_wait3A_60 = arith.constant 0 : i32
      %dma_wait3A_61 = tpu.memref_slice %arg2[%mul3A_7, %dma_wait3A_60] : memref<10112x64xf32, #tpu.memory_space<hbm>> -> memref<632x64xf32, #tpu.memory_space<hbm>>
      tpu.wait_dma2 semaphore(%run_scoped3A : memref<!tpu.dma_semaphore, #tpu.memory_space<semaphore_mem>>) src(%dma_wait3A_61 : memref<632x64xf32, #tpu.memory_space<hbm>>) dst(%dma_wait3A_59 : memref<632x64xf32, #tpu.memory_space<vmem_shared>>)
      tpu.yield
    }) : () -> ()
    "tpu.region"() ({
      %run_scoped3A = tpu.sem_alloc : memref<!tpu.dma_semaphore, #tpu.memory_space<semaphore_mem>>
      tpu.enqueue_dma source(%arg6 : memref<10112xf32, #tpu.memory_space<hbm>>) target(%arg13 : memref<10112xf32, #tpu.memory_space<vmem>>) target_semaphore(%run_scoped3A : memref<!tpu.dma_semaphore, #tpu.memory_space<semaphore_mem>>)
      tpu.wait_dma2 semaphore(%run_scoped3A : memref<!tpu.dma_semaphore, #tpu.memory_space<semaphore_mem>>) src(%arg6 : memref<10112xf32, #tpu.memory_space<hbm>>) dst(%arg13 : memref<10112xf32, #tpu.memory_space<vmem>>)
      tpu.yield
    }) : () -> ()
    %barrier3A = arith.constant 0 : index
    tpu.barrier barrier_id(%barrier3A)
    %dma_start3A = arith.constant 0 : i32
    %dma_start3A_10 = arith.constant 0 : i32
    %dma_start3A_11 = arith.constant 0 : i32
    %dma_start3A_12 = arith.constant 0 : i32
    %dma_start3A_13 = tpu.memref_slice %arg11[%dma_start3A_10, %dma_start3A_11, %dma_start3A_12] : memref<2x128x64xf32, #tpu.memory_space<vmem>> -> memref<1x128x64xf32, #tpu.memory_space<vmem>>
    %dma_start3A_14 = tpu.memref_squeeze %dma_start3A_13 : memref<1x128x64xf32, #tpu.memory_space<vmem>> -> memref<128x64xf32, #tpu.memory_space<vmem>>
    %dma_start3A_15 = arith.constant 0 : i32
    %dma_start3A_16 = tpu.memref_slice %arg9[%dma_start3A, %dma_start3A_15] : memref<80x128xi32, #tpu.memory_space<vmem>> -> memref<1x128xi32, #tpu.memory_space<vmem>>
    %dma_start3A_17 = tpu.memref_squeeze %dma_start3A_16 : memref<1x128xi32, #tpu.memory_space<vmem>> -> memref<128xi32, #tpu.memory_space<vmem>>
    %dma_start3A_18 = arith.constant 0 : i32
    %dma_start3A_19 = arith.constant 0 : i32
    %dma_start3A_20 = tpu.memref_slice %arg14[%dma_start3A_18, %dma_start3A_19] : memref<10112x64xf32, #tpu.memory_space<vmem_shared>> -> memref<10112x64xf32, #tpu.memory_space<vmem_shared>>
    tpu.enqueue_indirect_dma source(%dma_start3A_20 : memref<10112x64xf32, #tpu.memory_space<vmem_shared>>) target(%dma_start3A_14 : memref<128x64xf32, #tpu.memory_space<vmem>>) offsets(%dma_start3A_17 : memref<128xi32, #tpu.memory_space<vmem>>) semaphore(%arg15 : memref<!tpu.dma_semaphore, #tpu.memory_space<semaphore_mem>>)
    %scan3A = arith.constant 0 : i32
    %scan3A_21 = arith.constant 0 : i32
    %scan3A_22 = arith.constant 40 : i32
    %scan3A_23 = arith.addi %scan3A_21, %scan3A_22 : i32
    %scan3A_24 = arith.constant 1 : i32
    scf.for %scan3A_54 = %scan3A_21 to %scan3A_23 step %scan3A_24  : i32 {
      %mul3A_55 = arith.constant 2 : i32
      %mul3A_56 = arith.muli %scan3A_54, %mul3A_55 : i32
      %add3A_57 = arith.constant 0 : i32
      %add3A_58 = arith.addi %mul3A_56, %add3A_57 : i32
      %dma_wait3A_59 = arith.constant 0 : i32
      %dma_wait3A_60 = arith.constant 0 : i32
      %dma_wait3A_61 = arith.constant 0 : i32
      %dma_wait3A_62 = tpu.memref_slice %arg11[%dma_wait3A_59, %dma_wait3A_60, %dma_wait3A_61] : memref<2x128x64xf32, #tpu.memory_space<vmem>> -> memref<1x128x64xf32, #tpu.memory_space<vmem>>
      %dma_wait3A_63 = tpu.memref_squeeze %dma_wait3A_62 : memref<1x128x64xf32, #tpu.memory_space<vmem>> -> memref<128x64xf32, #tpu.memory_space<vmem>>
      %dma_wait3A_64 = arith.constant 0 : i32
      %dma_wait3A_65 = tpu.memref_slice %arg9[%add3A_58, %dma_wait3A_64] : memref<80x128xi32, #tpu.memory_space<vmem>> -> memref<1x128xi32, #tpu.memory_space<vmem>>
      %dma_wait3A_66 = tpu.memref_squeeze %dma_wait3A_65 : memref<1x128xi32, #tpu.memory_space<vmem>> -> memref<128xi32, #tpu.memory_space<vmem>>
      %dma_wait3A_67 = arith.constant 0 : i32
      %dma_wait3A_68 = arith.constant 0 : i32
      %dma_wait3A_69 = tpu.memref_slice %arg14[%dma_wait3A_67, %dma_wait3A_68] : memref<10112x64xf32, #tpu.memory_space<vmem_shared>> -> memref<10112x64xf32, #tpu.memory_space<vmem_shared>>
      tpu.wait_indirect_dma semaphore(%arg15 : memref<!tpu.dma_semaphore, #tpu.memory_space<semaphore_mem>>) src(%dma_wait3A_69 : memref<10112x64xf32, #tpu.memory_space<vmem_shared>>) dst(%dma_wait3A_63 : memref<128x64xf32, #tpu.memory_space<vmem>>)
      %dma_start3A_70 = arith.constant 0 : i32
      %dma_start3A_71 = arith.constant 0 : i32
      %dma_start3A_72 = arith.constant 0 : i32
      %dma_start3A_73 = tpu.memref_slice %arg11[%dma_start3A_70, %dma_start3A_71, %dma_start3A_72] : memref<2x128x64xf32, #tpu.memory_space<vmem>> -> memref<1x128x64xf32, #tpu.memory_space<vmem>>
      %dma_start3A_74 = tpu.memref_squeeze %dma_start3A_73 : memref<1x128x64xf32, #tpu.memory_space<vmem>> -> memref<128x64xf32, #tpu.memory_space<vmem>>
      %dma_start3A_75 = arith.constant 0 : i32
      %dma_start3A_76 = tpu.memref_slice %arg10[%add3A_58, %dma_start3A_75] : memref<80x128xi32, #tpu.memory_space<vmem>> -> memref<1x128xi32, #tpu.memory_space<vmem>>
      %dma_start3A_77 = tpu.memref_squeeze %dma_start3A_76 : memref<1x128xi32, #tpu.memory_space<vmem>> -> memref<128xi32, #tpu.memory_space<vmem>>
      %dma_start3A_78 = arith.constant 0 : i32
      %dma_start3A_79 = arith.constant 0 : i32
      %dma_start3A_80 = tpu.memref_slice %arg12[%dma_start3A_78, %dma_start3A_79] : memref<10112x64xf32, #tpu.memory_space<vmem_shared>> -> memref<10112x64xf32, #tpu.memory_space<vmem_shared>>
      tpu.enqueue_indirect_dma source(%dma_start3A_74 : memref<128x64xf32, #tpu.memory_space<vmem>>) target(%dma_start3A_80 : memref<10112x64xf32, #tpu.memory_space<vmem_shared>>) offsets(%dma_start3A_77 : memref<128xi32, #tpu.memory_space<vmem>>) semaphore(%arg17 : memref<!tpu.dma_semaphore, #tpu.memory_space<semaphore_mem>>) {add = true}
      %get3A = arith.index_cast %add3A_58 : i32 to index
      %get3A_81 = arith.constant 0 : index
      %get3A_82 = tpu.vector_load %arg10[%get3A, %get3A_81] {strides = array<i32>} : memref<80x128xi32, #tpu.memory_space<vmem>>, vector<16xi32>,
      tpu.vector_store_idx %arg13[%get3A_82], %broadcast_in_dim3A_1 {add = true} : memref<10112xf32, #tpu.memory_space<vmem>>[vector<16xi32>], vector<16xf32>,
      %get3A_83 = arith.index_cast %add3A_58 : i32 to index
      %get3A_84 = arith.constant 16 : index
      %get3A_85 = tpu.vector_load %arg10[%get3A_83, %get3A_84] {strides = array<i32>} : memref<80x128xi32, #tpu.memory_space<vmem>>, vector<16xi32>,
      tpu.vector_store_idx %arg13[%get3A_85], %broadcast_in_dim3A_1 {add = true} : memref<10112xf32, #tpu.memory_space<vmem>>[vector<16xi32>], vector<16xf32>,
      %get3A_86 = arith.index_cast %add3A_58 : i32 to index
      %get3A_87 = arith.constant 32 : index
      %get3A_88 = tpu.vector_load %arg10[%get3A_86, %get3A_87] {strides = array<i32>} : memref<80x128xi32, #tpu.memory_space<vmem>>, vector<16xi32>,
      tpu.vector_store_idx %arg13[%get3A_88], %broadcast_in_dim3A_1 {add = true} : memref<10112xf32, #tpu.memory_space<vmem>>[vector<16xi32>], vector<16xf32>,
      %get3A_89 = arith.index_cast %add3A_58 : i32 to index
      %get3A_90 = arith.constant 48 : index
      %get3A_91 = tpu.vector_load %arg10[%get3A_89, %get3A_90] {strides = array<i32>} : memref<80x128xi32, #tpu.memory_space<vmem>>, vector<16xi32>,
      tpu.vector_store_idx %arg13[%get3A_91], %broadcast_in_dim3A_1 {add = true} : memref<10112xf32, #tpu.memory_space<vmem>>[vector<16xi32>], vector<16xf32>,
      %get3A_92 = arith.index_cast %add3A_58 : i32 to index
      %get3A_93 = arith.constant 64 : index
      %get3A_94 = tpu.vector_load %arg10[%get3A_92, %get3A_93] {strides = array<i32>} : memref<80x128xi32, #tpu.memory_space<vmem>>, vector<16xi32>,
      tpu.vector_store_idx %arg13[%get3A_94], %broadcast_in_dim3A_1 {add = true} : memref<10112xf32, #tpu.memory_space<vmem>>[vector<16xi32>], vector<16xf32>,
      %get3A_95 = arith.index_cast %add3A_58 : i32 to index
      %get3A_96 = arith.constant 80 : index
      %get3A_97 = tpu.vector_load %arg10[%get3A_95, %get3A_96] {strides = array<i32>} : memref<80x128xi32, #tpu.memory_space<vmem>>, vector<16xi32>,
      tpu.vector_store_idx %arg13[%get3A_97], %broadcast_in_dim3A_1 {add = true} : memref<10112xf32, #tpu.memory_space<vmem>>[vector<16xi32>], vector<16xf32>,
      %get3A_98 = arith.index_cast %add3A_58 : i32 to index
      %get3A_99 = arith.constant 96 : index
      %get3A_100 = tpu.vector_load %arg10[%get3A_98, %get3A_99] {strides = array<i32>} : memref<80x128xi32, #tpu.memory_space<vmem>>, vector<16xi32>,
      tpu.vector_store_idx %arg13[%get3A_100], %broadcast_in_dim3A_1 {add = true} : memref<10112xf32, #tpu.memory_space<vmem>>[vector<16xi32>], vector<16xf32>,
      %get3A_101 = arith.index_cast %add3A_58 : i32 to index
      %get3A_102 = arith.constant 112 : index
      %get3A_103 = tpu.vector_load %arg10[%get3A_101, %get3A_102] {strides = array<i32>} : memref<80x128xi32, #tpu.memory_space<vmem>>, vector<16xi32>,
      tpu.vector_store_idx %arg13[%get3A_103], %broadcast_in_dim3A_1 {add = true} : memref<10112xf32, #tpu.memory_space<vmem>>[vector<16xi32>], vector<16xf32>,
      %add3A_104 = arith.constant 1 : i32
      %add3A_105 = arith.addi %add3A_58, %add3A_104 : i32
      %lt3A = arith.constant 80 : i32
      %lt3A_106 = arith.cmpi slt, %add3A_105, %lt3A : i32
      %convert_element_type3A = arith.extui %lt3A_106 : i1 to i32
      %cond3A = arith.constant 0 : i32
      %cond3A_107 = arith.cmpi ne, %convert_element_type3A, %cond3A : i32
      scf.if %cond3A_107 {
        %ge3A = arith.constant 2 : i32
        %ge3A_165 = arith.cmpi sge, %add3A_105, %ge3A : i32
        %convert_element_type3A_166 = arith.extui %ge3A_165 : i1 to i32
        %cond3A_167 = arith.constant 0 : i32
        %cond3A_168 = arith.cmpi ne, %convert_element_type3A_166, %cond3A_167 : i32
        scf.if %cond3A_168 {
          %sub3A = arith.constant 2 : i32
          %sub3A_180 = arith.subi %add3A_105, %sub3A : i32
          %dma_wait3A_181 = arith.constant 1 : i32
          %dma_wait3A_182 = arith.constant 0 : i32
          %dma_wait3A_183 = arith.constant 0 : i32
          %dma_wait3A_184 = tpu.memref_slice %arg11[%dma_wait3A_181, %dma_wait3A_182, %dma_wait3A_183] : memref<2x128x64xf32, #tpu.memory_space<vmem>> -> memref<1x128x64xf32, #tpu.memory_space<vmem>>
          %dma_wait3A_185 = tpu.memref_squeeze %dma_wait3A_184 : memref<1x128x64xf32, #tpu.memory_space<vmem>> -> memref<128x64xf32, #tpu.memory_space<vmem>>
          %dma_wait3A_186 = arith.constant 0 : i32
          %dma_wait3A_187 = tpu.memref_slice %arg10[%sub3A_180, %dma_wait3A_186] : memref<80x128xi32, #tpu.memory_space<vmem>> -> memref<1x128xi32, #tpu.memory_space<vmem>>
          %dma_wait3A_188 = tpu.memref_squeeze %dma_wait3A_187 : memref<1x128xi32, #tpu.memory_space<vmem>> -> memref<128xi32, #tpu.memory_space<vmem>>
          %dma_wait3A_189 = arith.constant 0 : i32
          %dma_wait3A_190 = arith.constant 0 : i32
          %dma_wait3A_191 = tpu.memref_slice %arg12[%dma_wait3A_189, %dma_wait3A_190] : memref<10112x64xf32, #tpu.memory_space<vmem_shared>> -> memref<10112x64xf32, #tpu.memory_space<vmem_shared>>
          tpu.wait_indirect_dma semaphore(%arg18 : memref<!tpu.dma_semaphore, #tpu.memory_space<semaphore_mem>>) src(%dma_wait3A_185 : memref<128x64xf32, #tpu.memory_space<vmem>>) dst(%dma_wait3A_191 : memref<10112x64xf32, #tpu.memory_space<vmem_shared>>)
        } else {
        }
        %dma_start3A_169 = arith.constant 1 : i32
        %dma_start3A_170 = arith.constant 0 : i32
        %dma_start3A_171 = arith.constant 0 : i32
        %dma_start3A_172 = tpu.memref_slice %arg11[%dma_start3A_169, %dma_start3A_170, %dma_start3A_171] : memref<2x128x64xf32, #tpu.memory_space<vmem>> -> memref<1x128x64xf32, #tpu.memory_space<vmem>>
        %dma_start3A_173 = tpu.memref_squeeze %dma_start3A_172 : memref<1x128x64xf32, #tpu.memory_space<vmem>> -> memref<128x64xf32, #tpu.memory_space<vmem>>
        %dma_start3A_174 = arith.constant 0 : i32
        %dma_start3A_175 = tpu.memref_slice %arg9[%add3A_105, %dma_start3A_174] : memref<80x128xi32, #tpu.memory_space<vmem>> -> memref<1x128xi32, #tpu.memory_space<vmem>>
        %dma_start3A_176 = tpu.memref_squeeze %dma_start3A_175 : memref<1x128xi32, #tpu.memory_space<vmem>> -> memref<128xi32, #tpu.memory_space<vmem>>
        %dma_start3A_177 = arith.constant 0 : i32
        %dma_start3A_178 = arith.constant 0 : i32
        %dma_start3A_179 = tpu.memref_slice %arg14[%dma_start3A_177, %dma_start3A_178] : memref<10112x64xf32, #tpu.memory_space<vmem_shared>> -> memref<10112x64xf32, #tpu.memory_space<vmem_shared>>
        tpu.enqueue_indirect_dma source(%dma_start3A_179 : memref<10112x64xf32, #tpu.memory_space<vmem_shared>>) target(%dma_start3A_173 : memref<128x64xf32, #tpu.memory_space<vmem>>) offsets(%dma_start3A_176 : memref<128xi32, #tpu.memory_space<vmem>>) semaphore(%arg16 : memref<!tpu.dma_semaphore, #tpu.memory_space<semaphore_mem>>)
      } else {
      }
      %mul3A_108 = arith.constant 2 : i32
      %mul3A_109 = arith.muli %scan3A_54, %mul3A_108 : i32
      %add3A_110 = arith.constant 1 : i32
      %add3A_111 = arith.addi %mul3A_109, %add3A_110 : i32
      %dma_wait3A_112 = arith.constant 1 : i32
      %dma_wait3A_113 = arith.constant 0 : i32
      %dma_wait3A_114 = arith.constant 0 : i32
      %dma_wait3A_115 = tpu.memref_slice %arg11[%dma_wait3A_112, %dma_wait3A_113, %dma_wait3A_114] : memref<2x128x64xf32, #tpu.memory_space<vmem>> -> memref<1x128x64xf32, #tpu.memory_space<vmem>>
      %dma_wait3A_116 = tpu.memref_squeeze %dma_wait3A_115 : memref<1x128x64xf32, #tpu.memory_space<vmem>> -> memref<128x64xf32, #tpu.memory_space<vmem>>
      %dma_wait3A_117 = arith.constant 0 : i32
      %dma_wait3A_118 = tpu.memref_slice %arg9[%add3A_111, %dma_wait3A_117] : memref<80x128xi32, #tpu.memory_space<vmem>> -> memref<1x128xi32, #tpu.memory_space<vmem>>
      %dma_wait3A_119 = tpu.memref_squeeze %dma_wait3A_118 : memref<1x128xi32, #tpu.memory_space<vmem>> -> memref<128xi32, #tpu.memory_space<vmem>>
      %dma_wait3A_120 = arith.constant 0 : i32
      %dma_wait3A_121 = arith.constant 0 : i32
      %dma_wait3A_122 = tpu.memref_slice %arg14[%dma_wait3A_120, %dma_wait3A_121] : memref<10112x64xf32, #tpu.memory_space<vmem_shared>> -> memref<10112x64xf32, #tpu.memory_space<vmem_shared>>
      tpu.wait_indirect_dma semaphore(%arg16 : memref<!tpu.dma_semaphore, #tpu.memory_space<semaphore_mem>>) src(%dma_wait3A_122 : memref<10112x64xf32, #tpu.memory_space<vmem_shared>>) dst(%dma_wait3A_116 : memref<128x64xf32, #tpu.memory_space<vmem>>)
      %dma_start3A_123 = arith.constant 1 : i32
      %dma_start3A_124 = arith.constant 0 : i32
      %dma_start3A_125 = arith.constant 0 : i32
      %dma_start3A_126 = tpu.memref_slice %arg11[%dma_start3A_123, %dma_start3A_124, %dma_start3A_125] : memref<2x128x64xf32, #tpu.memory_space<vmem>> -> memref<1x128x64xf32, #tpu.memory_space<vmem>>
      %dma_start3A_127 = tpu.memref_squeeze %dma_start3A_126 : memref<1x128x64xf32, #tpu.memory_space<vmem>> -> memref<128x64xf32, #tpu.memory_space<vmem>>
      %dma_start3A_128 = arith.constant 0 : i32
      %dma_start3A_129 = tpu.memref_slice %arg10[%add3A_111, %dma_start3A_128] : memref<80x128xi32, #tpu.memory_space<vmem>> -> memref<1x128xi32, #tpu.memory_space<vmem>>
      %dma_start3A_130 = tpu.memref_squeeze %dma_start3A_129 : memref<1x128xi32, #tpu.memory_space<vmem>> -> memref<128xi32, #tpu.memory_space<vmem>>
      %dma_start3A_131 = arith.constant 0 : i32
      %dma_start3A_132 = arith.constant 0 : i32
      %dma_start3A_133 = tpu.memref_slice %arg12[%dma_start3A_131, %dma_start3A_132] : memref<10112x64xf32, #tpu.memory_space<vmem_shared>> -> memref<10112x64xf32, #tpu.memory_space<vmem_shared>>
      tpu.enqueue_indirect_dma source(%dma_start3A_127 : memref<128x64xf32, #tpu.memory_space<vmem>>) target(%dma_start3A_133 : memref<10112x64xf32, #tpu.memory_space<vmem_shared>>) offsets(%dma_start3A_130 : memref<128xi32, #tpu.memory_space<vmem>>) semaphore(%arg18 : memref<!tpu.dma_semaphore, #tpu.memory_space<semaphore_mem>>) {add = true}
      %get3A_134 = arith.index_cast %add3A_111 : i32 to index
      %get3A_135 = arith.constant 0 : index
      %get3A_136 = tpu.vector_load %arg10[%get3A_134, %get3A_135] {strides = array<i32>} : memref<80x128xi32, #tpu.memory_space<vmem>>, vector<16xi32>,
      tpu.vector_store_idx %arg13[%get3A_136], %broadcast_in_dim3A_1 {add = true} : memref<10112xf32, #tpu.memory_space<vmem>>[vector<16xi32>], vector<16xf32>,
      %get3A_137 = arith.index_cast %add3A_111 : i32 to index
      %get3A_138 = arith.constant 16 : index
      %get3A_139 = tpu.vector_load %arg10[%get3A_137, %get3A_138] {strides = array<i32>} : memref<80x128xi32, #tpu.memory_space<vmem>>, vector<16xi32>,
      tpu.vector_store_idx %arg13[%get3A_139], %broadcast_in_dim3A_1 {add = true} : memref<10112xf32, #tpu.memory_space<vmem>>[vector<16xi32>], vector<16xf32>,
      %get3A_140 = arith.index_cast %add3A_111 : i32 to index
      %get3A_141 = arith.constant 32 : index
      %get3A_142 = tpu.vector_load %arg10[%get3A_140, %get3A_141] {strides = array<i32>} : memref<80x128xi32, #tpu.memory_space<vmem>>, vector<16xi32>,
      tpu.vector_store_idx %arg13[%get3A_142], %broadcast_in_dim3A_1 {add = true} : memref<10112xf32, #tpu.memory_space<vmem>>[vector<16xi32>], vector<16xf32>,
      %get3A_143 = arith.index_cast %add3A_111 : i32 to index
      %get3A_144 = arith.constant 48 : index
      %get3A_145 = tpu.vector_load %arg10[%get3A_143, %get3A_144] {strides = array<i32>} : memref<80x128xi32, #tpu.memory_space<vmem>>, vector<16xi32>,
      tpu.vector_store_idx %arg13[%get3A_145], %broadcast_in_dim3A_1 {add = true} : memref<10112xf32, #tpu.memory_space<vmem>>[vector<16xi32>], vector<16xf32>,
      %get3A_146 = arith.index_cast %add3A_111 : i32 to index
      %get3A_147 = arith.constant 64 : index
      %get3A_148 = tpu.vector_load %arg10[%get3A_146, %get3A_147] {strides = array<i32>} : memref<80x128xi32, #tpu.memory_space<vmem>>, vector<16xi32>,
      tpu.vector_store_idx %arg13[%get3A_148], %broadcast_in_dim3A_1 {add = true} : memref<10112xf32, #tpu.memory_space<vmem>>[vector<16xi32>], vector<16xf32>,
      %get3A_149 = arith.index_cast %add3A_111 : i32 to index
      %get3A_150 = arith.constant 80 : index
      %get3A_151 = tpu.vector_load %arg10[%get3A_149, %get3A_150] {strides = array<i32>} : memref<80x128xi32, #tpu.memory_space<vmem>>, vector<16xi32>,
      tpu.vector_store_idx %arg13[%get3A_151], %broadcast_in_dim3A_1 {add = true} : memref<10112xf32, #tpu.memory_space<vmem>>[vector<16xi32>], vector<16xf32>,
      %get3A_152 = arith.index_cast %add3A_111 : i32 to index
      %get3A_153 = arith.constant 96 : index
      %get3A_154 = tpu.vector_load %arg10[%get3A_152, %get3A_153] {strides = array<i32>} : memref<80x128xi32, #tpu.memory_space<vmem>>, vector<16xi32>,
      tpu.vector_store_idx %arg13[%get3A_154], %broadcast_in_dim3A_1 {add = true} : memref<10112xf32, #tpu.memory_space<vmem>>[vector<16xi32>], vector<16xf32>,
      %get3A_155 = arith.index_cast %add3A_111 : i32 to index
      %get3A_156 = arith.constant 112 : index
      %get3A_157 = tpu.vector_load %arg10[%get3A_155, %get3A_156] {strides = array<i32>} : memref<80x128xi32, #tpu.memory_space<vmem>>, vector<16xi32>,
      tpu.vector_store_idx %arg13[%get3A_157], %broadcast_in_dim3A_1 {add = true} : memref<10112xf32, #tpu.memory_space<vmem>>[vector<16xi32>], vector<16xf32>,
      %add3A_158 = arith.constant 1 : i32
      %add3A_159 = arith.addi %add3A_111, %add3A_158 : i32
      %lt3A_160 = arith.constant 80 : i32
      %lt3A_161 = arith.cmpi slt, %add3A_159, %lt3A_160 : i32
      %convert_element_type3A_162 = arith.extui %lt3A_161 : i1 to i32
      %cond3A_163 = arith.constant 0 : i32
      %cond3A_164 = arith.cmpi ne, %convert_element_type3A_162, %cond3A_163 : i32
      scf.if %cond3A_164 {
        %ge3A = arith.constant 2 : i32
        %ge3A_165 = arith.cmpi sge, %add3A_159, %ge3A : i32
        %convert_element_type3A_166 = arith.extui %ge3A_165 : i1 to i32
        %cond3A_167 = arith.constant 0 : i32
        %cond3A_168 = arith.cmpi ne, %convert_element_type3A_166, %cond3A_167 : i32
        scf.if %cond3A_168 {
          %sub3A = arith.constant 2 : i32
          %sub3A_180 = arith.subi %add3A_159, %sub3A : i32
          %dma_wait3A_181 = arith.constant 0 : i32
          %dma_wait3A_182 = arith.constant 0 : i32
          %dma_wait3A_183 = arith.constant 0 : i32
          %dma_wait3A_184 = tpu.memref_slice %arg11[%dma_wait3A_181, %dma_wait3A_182, %dma_wait3A_183] : memref<2x128x64xf32, #tpu.memory_space<vmem>> -> memref<1x128x64xf32, #tpu.memory_space<vmem>>
          %dma_wait3A_185 = tpu.memref_squeeze %dma_wait3A_184 : memref<1x128x64xf32, #tpu.memory_space<vmem>> -> memref<128x64xf32, #tpu.memory_space<vmem>>
          %dma_wait3A_186 = arith.constant 0 : i32
          %dma_wait3A_187 = tpu.memref_slice %arg10[%sub3A_180, %dma_wait3A_186] : memref<80x128xi32, #tpu.memory_space<vmem>> -> memref<1x128xi32, #tpu.memory_space<vmem>>
          %dma_wait3A_188 = tpu.memref_squeeze %dma_wait3A_187 : memref<1x128xi32, #tpu.memory_space<vmem>> -> memref<128xi32, #tpu.memory_space<vmem>>
          %dma_wait3A_189 = arith.constant 0 : i32
          %dma_wait3A_190 = arith.constant 0 : i32
          %dma_wait3A_191 = tpu.memref_slice %arg12[%dma_wait3A_189, %dma_wait3A_190] : memref<10112x64xf32, #tpu.memory_space<vmem_shared>> -> memref<10112x64xf32, #tpu.memory_space<vmem_shared>>
          tpu.wait_indirect_dma semaphore(%arg17 : memref<!tpu.dma_semaphore, #tpu.memory_space<semaphore_mem>>) src(%dma_wait3A_185 : memref<128x64xf32, #tpu.memory_space<vmem>>) dst(%dma_wait3A_191 : memref<10112x64xf32, #tpu.memory_space<vmem_shared>>)
        } else {
        }
        %dma_start3A_169 = arith.constant 0 : i32
        %dma_start3A_170 = arith.constant 0 : i32
        %dma_start3A_171 = arith.constant 0 : i32
        %dma_start3A_172 = tpu.memref_slice %arg11[%dma_start3A_169, %dma_start3A_170, %dma_start3A_171] : memref<2x128x64xf32, #tpu.memory_space<vmem>> -> memref<1x128x64xf32, #tpu.memory_space<vmem>>
        %dma_start3A_173 = tpu.memref_squeeze %dma_start3A_172 : memref<1x128x64xf32, #tpu.memory_space<vmem>> -> memref<128x64xf32, #tpu.memory_space<vmem>>
        %dma_start3A_174 = arith.constant 0 : i32
        %dma_start3A_175 = tpu.memref_slice %arg9[%add3A_159, %dma_start3A_174] : memref<80x128xi32, #tpu.memory_space<vmem>> -> memref<1x128xi32, #tpu.memory_space<vmem>>
        %dma_start3A_176 = tpu.memref_squeeze %dma_start3A_175 : memref<1x128xi32, #tpu.memory_space<vmem>> -> memref<128xi32, #tpu.memory_space<vmem>>
        %dma_start3A_177 = arith.constant 0 : i32
        %dma_start3A_178 = arith.constant 0 : i32
        %dma_start3A_179 = tpu.memref_slice %arg14[%dma_start3A_177, %dma_start3A_178] : memref<10112x64xf32, #tpu.memory_space<vmem_shared>> -> memref<10112x64xf32, #tpu.memory_space<vmem_shared>>
        tpu.enqueue_indirect_dma source(%dma_start3A_179 : memref<10112x64xf32, #tpu.memory_space<vmem_shared>>) target(%dma_start3A_173 : memref<128x64xf32, #tpu.memory_space<vmem>>) offsets(%dma_start3A_176 : memref<128xi32, #tpu.memory_space<vmem>>) semaphore(%arg15 : memref<!tpu.dma_semaphore, #tpu.memory_space<semaphore_mem>>)
      } else {
      }
    }
    %scan3A_25 = arith.constant 40 : i32
    %dma_wait3A = arith.constant 0 : i32
    %dma_wait3A_26 = arith.constant 78 : i32
    %dma_wait3A_27 = arith.constant 0 : i32
    %dma_wait3A_28 = arith.constant 0 : i32
    %dma_wait3A_29 = tpu.memref_slice %arg11[%dma_wait3A, %dma_wait3A_27, %dma_wait3A_28] : memref<2x128x64xf32, #tpu.memory_space<vmem>> -> memref<1x128x64xf32, #tpu.memory_space<vmem>>
    %dma_wait3A_30 = tpu.memref_squeeze %dma_wait3A_29 : memref<1x128x64xf32, #tpu.memory_space<vmem>> -> memref<128x64xf32, #tpu.memory_space<vmem>>
    %dma_wait3A_31 = arith.constant 0 : i32
    %dma_wait3A_32 = tpu.memref_slice %arg10[%dma_wait3A_26, %dma_wait3A_31] : memref<80x128xi32, #tpu.memory_space<vmem>> -> memref<1x128xi32, #tpu.memory_space<vmem>>
    %dma_wait3A_33 = tpu.memref_squeeze %dma_wait3A_32 : memref<1x128xi32, #tpu.memory_space<vmem>> -> memref<128xi32, #tpu.memory_space<vmem>>
    %dma_wait3A_34 = arith.constant 0 : i32
    %dma_wait3A_35 = arith.constant 0 : i32
    %dma_wait3A_36 = tpu.memref_slice %arg12[%dma_wait3A_34, %dma_wait3A_35] : memref<10112x64xf32, #tpu.memory_space<vmem_shared>> -> memref<10112x64xf32, #tpu.memory_space<vmem_shared>>
    tpu.wait_indirect_dma semaphore(%arg17 : memref<!tpu.dma_semaphore, #tpu.memory_space<semaphore_mem>>) src(%dma_wait3A_30 : memref<128x64xf32, #tpu.memory_space<vmem>>) dst(%dma_wait3A_36 : memref<10112x64xf32, #tpu.memory_space<vmem_shared>>)
    %dma_wait3A_37 = arith.constant 1 : i32
    %dma_wait3A_38 = arith.constant 79 : i32
    %dma_wait3A_39 = arith.constant 0 : i32
    %dma_wait3A_40 = arith.constant 0 : i32
    %dma_wait3A_41 = tpu.memref_slice %arg11[%dma_wait3A_37, %dma_wait3A_39, %dma_wait3A_40] : memref<2x128x64xf32, #tpu.memory_space<vmem>> -> memref<1x128x64xf32, #tpu.memory_space<vmem>>
    %dma_wait3A_42 = tpu.memref_squeeze %dma_wait3A_41 : memref<1x128x64xf32, #tpu.memory_space<vmem>> -> memref<128x64xf32, #tpu.memory_space<vmem>>
    %dma_wait3A_43 = arith.constant 0 : i32
    %dma_wait3A_44 = tpu.memref_slice %arg10[%dma_wait3A_38, %dma_wait3A_43] : memref<80x128xi32, #tpu.memory_space<vmem>> -> memref<1x128xi32, #tpu.memory_space<vmem>>
    %dma_wait3A_45 = tpu.memref_squeeze %dma_wait3A_44 : memref<1x128xi32, #tpu.memory_space<vmem>> -> memref<128xi32, #tpu.memory_space<vmem>>
    %dma_wait3A_46 = arith.constant 0 : i32
    %dma_wait3A_47 = arith.constant 0 : i32
    %dma_wait3A_48 = tpu.memref_slice %arg12[%dma_wait3A_46, %dma_wait3A_47] : memref<10112x64xf32, #tpu.memory_space<vmem_shared>> -> memref<10112x64xf32, #tpu.memory_space<vmem_shared>>
    tpu.wait_indirect_dma semaphore(%arg18 : memref<!tpu.dma_semaphore, #tpu.memory_space<semaphore_mem>>) src(%dma_wait3A_42 : memref<128x64xf32, #tpu.memory_space<vmem>>) dst(%dma_wait3A_48 : memref<10112x64xf32, #tpu.memory_space<vmem_shared>>)
    %barrier3A_49 = arith.constant 0 : index
    tpu.barrier barrier_id(%barrier3A_49)
    %mul3A_50 = arith.constant 632 : i32
    %mul3A_51 = arith.muli %arg1, %mul3A_50 : i32
    %mul3A_52 = arith.constant 632 : i32
    %mul3A_53 = arith.muli %arg1, %mul3A_52 : i32
    "tpu.region"() ({
      %run_scoped3A = tpu.sem_alloc : memref<!tpu.dma_semaphore, #tpu.memory_space<semaphore_mem>>
      %dma_start3A_54 = arith.constant 0 : i32
      %dma_start3A_55 = tpu.memref_slice %arg7[%arg0, %mul3A_53, %dma_start3A_54] : memref<2x10112x64xf32, #tpu.memory_space<hbm>> -> memref<1x632x64xf32, #tpu.memory_space<hbm>>
      %dma_start3A_56 = tpu.memref_squeeze %dma_start3A_55 : memref<1x632x64xf32, #tpu.memory_space<hbm>> -> memref<632x64xf32, #tpu.memory_space<hbm>>
      %dma_start3A_57 = arith.constant 0 : i32
      %dma_start3A_58 = tpu.memref_slice %arg12[%mul3A_51, %dma_start3A_57] : memref<10112x64xf32, #tpu.memory_space<vmem_shared>> -> memref<632x64xf32, #tpu.memory_space<vmem_shared>>
      tpu.enqueue_dma source(%dma_start3A_58 : memref<632x64xf32, #tpu.memory_space<vmem_shared>>) target(%dma_start3A_56 : memref<632x64xf32, #tpu.memory_space<hbm>>) target_semaphore(%run_scoped3A : memref<!tpu.dma_semaphore, #tpu.memory_space<semaphore_mem>>)
      %dma_wait3A_59 = arith.constant 0 : i32
      %dma_wait3A_60 = tpu.memref_slice %arg7[%arg0, %mul3A_53, %dma_wait3A_59] : memref<2x10112x64xf32, #tpu.memory_space<hbm>> -> memref<1x632x64xf32, #tpu.memory_space<hbm>>
      %dma_wait3A_61 = tpu.memref_squeeze %dma_wait3A_60 : memref<1x632x64xf32, #tpu.memory_space<hbm>> -> memref<632x64xf32, #tpu.memory_space<hbm>>
      %dma_wait3A_62 = arith.constant 0 : i32
      %dma_wait3A_63 = tpu.memref_slice %arg12[%mul3A_51, %dma_wait3A_62] : memref<10112x64xf32, #tpu.memory_space<vmem_shared>> -> memref<632x64xf32, #tpu.memory_space<vmem_shared>>
      tpu.wait_dma2 semaphore(%run_scoped3A : memref<!tpu.dma_semaphore, #tpu.memory_space<semaphore_mem>>) src(%dma_wait3A_63 : memref<632x64xf32, #tpu.memory_space<vmem_shared>>) dst(%dma_wait3A_61 : memref<632x64xf32, #tpu.memory_space<hbm>>)
      tpu.yield
    }) : () -> ()
    "tpu.region"() ({
      %run_scoped3A = tpu.sem_alloc : memref<!tpu.dma_semaphore, #tpu.memory_space<semaphore_mem>>
      %dma_start3A_54 = arith.constant 0 : i32
      %dma_start3A_55 = tpu.memref_slice %arg8[%arg0, %arg1, %dma_start3A_54] : memref<2x16x10112xf32, #tpu.memory_space<hbm>> -> memref<1x1x10112xf32, #tpu.memory_space<hbm>>
      %dma_start3A_56 = tpu.memref_squeeze %dma_start3A_55 : memref<1x1x10112xf32, #tpu.memory_space<hbm>> -> memref<10112xf32, #tpu.memory_space<hbm>>
      %dma_start3A_57 = arith.constant 0 : i32
      %dma_start3A_58 = tpu.memref_slice %arg8[%arg0, %arg1, %dma_start3A_57] : memref<2x16x10112xf32, #tpu.memory_space<hbm>> -> memref<1x1x10112xf32, #tpu.memory_space<hbm>>
      %dma_start3A_59 = tpu.memref_squeeze %dma_start3A_58 : memref<1x1x10112xf32, #tpu.memory_space<hbm>> -> memref<10112xf32, #tpu.memory_space<hbm>>
      tpu.enqueue_dma source(%arg13 : memref<10112xf32, #tpu.memory_space<vmem>>) target(%dma_start3A_59 : memref<10112xf32, #tpu.memory_space<hbm>>) target_semaphore(%run_scoped3A : memref<!tpu.dma_semaphore, #tpu.memory_space<semaphore_mem>>)
      %dma_wait3A_60 = arith.constant 0 : i32
      %dma_wait3A_61 = tpu.memref_slice %arg8[%arg0, %arg1, %dma_wait3A_60] : memref<2x16x10112xf32, #tpu.memory_space<hbm>> -> memref<1x1x10112xf32, #tpu.memory_space<hbm>>
      %dma_wait3A_62 = tpu.memref_squeeze %dma_wait3A_61 : memref<1x1x10112xf32, #tpu.memory_space<hbm>> -> memref<10112xf32, #tpu.memory_space<hbm>>
      %dma_wait3A_63 = arith.constant 0 : i32
      %dma_wait3A_64 = tpu.memref_slice %arg8[%arg0, %arg1, %dma_wait3A_63] : memref<2x16x10112xf32, #tpu.memory_space<hbm>> -> memref<1x1x10112xf32, #tpu.memory_space<hbm>>
      %dma_wait3A_65 = tpu.memref_squeeze %dma_wait3A_64 : memref<1x1x10112xf32, #tpu.memory_space<hbm>> -> memref<10112xf32, #tpu.memory_space<hbm>>
      tpu.wait_dma2 semaphore(%run_scoped3A : memref<!tpu.dma_semaphore, #tpu.memory_space<semaphore_mem>>) src(%arg13 : memref<10112xf32, #tpu.memory_space<vmem>>) dst(%dma_wait3A_65 : memref<10112xf32, #tpu.memory_space<hbm>>)
      tpu.yield
    }) : () -> ()
    return
  }
}

module attributes {stable_mosaic.version = 14 : i64} {
  func.func @body(%arg0: memref<10000x128xf32, #tpu.memory_space<vmem>>, %arg1: memref<128x128xf32, #tpu.memory_space<vmem>>, %arg2: memref<1x64xf32, #tpu.memory_space<vmem>>, %arg3: memref<10000x64xf32, #tpu.memory_space<vmem>>, %arg4: memref<10000x64xf32, #tpu.memory_space<vmem>>) attributes {dimension_semantics = [], scalar_prefetch = 0 : i64, scratch_operands = 0 : i64, tpu.core_type = #tpu.core_type<tc>} {
    %get3A = arith.constant 0 : index
    %get3A_0 = arith.constant 0 : index
    %get3A_1 = vector.load %arg0[%get3A, %get3A_0] : memref<10000x128xf32, #tpu.memory_space<vmem>>, vector<10000x128xf32>
    %get3A_2 = arith.constant 0 : index
    %get3A_3 = arith.constant 0 : index
    %get3A_4 = vector.load %arg1[%get3A_2, %get3A_3] : memref<128x128xf32, #tpu.memory_space<vmem>>, vector<128x128xf32>
    %dot_general3A = arith.constant dense<0.000000e+00> : vector<10000x128xf32>
    %dot_general3A_5 = tpu.matmul %get3A_1, %get3A_4, %dot_general3A {dimension_numbers = #tpu.dot_dimension_numbers<[1], [1], [0], [0], [0, 0, 1, 0], [], []>, transpose_lhs_hint = false} : vector<10000x128xf32>, vector<128x128xf32>, vector<10000x128xf32> -> vector<10000x128xf32>
    %slice3A = vector.extract_strided_slice %dot_general3A_5 {offsets = [0, 0], sizes = [10000, 64], strides = [1, 1]} : vector<10000x128xf32> to vector<10000x64xf32>
    %swap3A = arith.constant 0 : index
    %swap3A_6 = arith.constant 0 : index
    %swap3A_7 = vector.load %arg3[%swap3A, %swap3A_6] : memref<10000x64xf32, #tpu.memory_space<vmem>>, vector<10000x64xf32>
    tpu.vector_store %arg3[%swap3A, %swap3A_6], %slice3A {strides = array<i32>} : memref<10000x64xf32, #tpu.memory_space<vmem>>, vector<10000x64xf32>,
    %slice3A_8 = vector.extract_strided_slice %dot_general3A_5 {offsets = [0, 64], sizes = [10000, 64], strides = [1, 1]} : vector<10000x128xf32> to vector<10000x64xf32>
    %get3A_9 = arith.constant 0 : index
    %get3A_10 = arith.constant 0 : index
    %get3A_11 = vector.load %arg2[%get3A_9, %get3A_10] : memref<1x64xf32, #tpu.memory_space<vmem>>, vector<1x64xf32>
    %add3A = vector.broadcast %get3A_11 : vector<1x64xf32> to vector<10000x64xf32>
    %add3A_12 = arith.addf %slice3A_8, %add3A : vector<10000x64xf32>
    %swap3A_13 = arith.constant 0 : index
    %swap3A_14 = arith.constant 0 : index
    %swap3A_15 = vector.load %arg4[%swap3A_13, %swap3A_14] : memref<10000x64xf32, #tpu.memory_space<vmem>>, vector<10000x64xf32>
    tpu.vector_store %arg4[%swap3A_13, %swap3A_14], %add3A_12 {strides = array<i32>} : memref<10000x64xf32, #tpu.memory_space<vmem>>, vector<10000x64xf32>,
    return
  }
}

module attributes {stable_mosaic.version = 14 : i64} {
  func.func @body(%arg0: memref<2x10112x64xf32, #tpu.memory_space<vmem>>, %arg1: memref<2x16x10112xf32, #tpu.memory_space<vmem>>, %arg2: memref<10000x64xf32, #tpu.memory_space<vmem>>, %arg3: memref<2x64xf32, #tpu.memory_space<vmem>>, %arg4: memref<1x1xf32, #tpu.memory_space<vmem>>, %arg5: memref<10000x8xf32, #tpu.memory_space<vmem>>, %arg6: memref<10000x8xf32, #tpu.memory_space<vmem>>) attributes {dimension_semantics = [], scalar_prefetch = 0 : i64, scratch_operands = 0 : i64, tpu.core_type = #tpu.core_type<tc>} {
    %get3A = arith.constant 0 : index
    %get3A_0 = arith.constant 0 : index
    %get3A_1 = arith.constant 0 : index
    %get3A_2 = vector.load %arg0[%get3A, %get3A_0, %get3A_1] : memref<2x10112x64xf32, #tpu.memory_space<vmem>>, vector<1x10000x64xf32>
    %get3A_3 = vector.shape_cast %get3A_2 : vector<1x10000x64xf32> to vector<10000x64xf32>
    %get3A_4 = arith.constant 1 : index
    %get3A_5 = arith.constant 0 : index
    %get3A_6 = arith.constant 0 : index
    %get3A_7 = vector.load %arg0[%get3A_4, %get3A_5, %get3A_6] : memref<2x10112x64xf32, #tpu.memory_space<vmem>>, vector<1x10000x64xf32>
    %get3A_8 = vector.shape_cast %get3A_7 : vector<1x10000x64xf32> to vector<10000x64xf32>
    %add3A = arith.addf %get3A_3, %get3A_8 : vector<10000x64xf32>
    %get3A_9 = arith.constant 0 : index
    %get3A_10 = arith.constant 0 : index
    %get3A_11 = arith.constant 0 : index
    %get3A_12 = vector.load %arg1[%get3A_9, %get3A_10, %get3A_11] : memref<2x16x10112xf32, #tpu.memory_space<vmem>>, vector<2x16x10112xf32>
    %reshape3A = vector.shape_cast %get3A_12 : vector<2x16x10112xf32> to vector<32x10112xf32>
    %reduce_sum3A = arith.constant dense<0.000000e+00> : vector<10112xf32>
    %reduce_sum3A_13 = vector.multi_reduction <add>, %reshape3A, %reduce_sum3A [0] : vector<32x10112xf32> to vector<10112xf32>
    %slice3A = vector.extract_strided_slice %reduce_sum3A_13 {offsets = [0], sizes = [10000], strides = [1]} : vector<10112xf32> to vector<10000xf32>
    %max3A = arith.constant 1.000000e+00 : f32
    %max3A_14 = vector.broadcast %max3A : f32 to vector<10000xf32>
    %max3A_15 = arith.maximumf %slice3A, %max3A_14 : vector<10000xf32>
    %div3A = arith.constant 1.000000e+00 : f32
    %div3A_16 = vector.broadcast %div3A : f32 to vector<10000xf32>
    %div3A_17 = arith.divf %div3A_16, %max3A_15 : vector<10000xf32>
    %broadcast_in_dim3A = vector.shape_cast %div3A_17 : vector<10000xf32> to vector<10000x1xf32>
    %mul3A = vector.broadcast %broadcast_in_dim3A : vector<10000x1xf32> to vector<10000x64xf32>
    %mul3A_18 = arith.mulf %add3A, %mul3A : vector<10000x64xf32>
    %get3A_19 = arith.constant 0 : index
    %get3A_20 = arith.constant 0 : index
    %get3A_21 = vector.load %arg2[%get3A_19, %get3A_20] : memref<10000x64xf32, #tpu.memory_space<vmem>>, vector<10000x64xf32>
    %add3A_22 = arith.addf %mul3A_18, %get3A_21 : vector<10000x64xf32>
    %max3A_23 = arith.constant 0.000000e+00 : f32
    %max3A_24 = vector.broadcast %max3A_23 : f32 to vector<10000x64xf32>
    %max3A_25 = arith.maximumf %add3A_22, %max3A_24 : vector<10000x64xf32>
    %get3A_26 = arith.constant 0 : index
    %get3A_27 = arith.constant 0 : index
    %get3A_28 = vector.load %arg3[%get3A_26, %get3A_27] : memref<2x64xf32, #tpu.memory_space<vmem>>, vector<2x64xf32>
    %dot_general3A = arith.constant dense<0.000000e+00> : vector<10000x2xf32>
    %dot_general3A_29 = tpu.matmul %max3A_25, %get3A_28, %dot_general3A {dimension_numbers = #tpu.dot_dimension_numbers<[1], [1], [0], [0], [0, 0, 1, 0], [], []>, transpose_lhs_hint = false} : vector<10000x64xf32>, vector<2x64xf32>, vector<10000x2xf32> -> vector<10000x2xf32>
    %slice3A_30 = vector.extract_strided_slice %dot_general3A_29 {offsets = [0, 0], sizes = [10000, 1], strides = [1, 1]} : vector<10000x2xf32> to vector<10000x1xf32>
    %broadcast_in_dim3A_31 = vector.shape_cast %slice3A_30 : vector<10000x1xf32> to vector<10000x1xf32>
    %broadcast_in_dim3A_32 = vector.broadcast %broadcast_in_dim3A_31 : vector<10000x1xf32> to vector<10000x8xf32>
    %swap3A = arith.constant 0 : index
    %swap3A_33 = arith.constant 0 : index
    %swap3A_34 = vector.load %arg5[%swap3A, %swap3A_33] : memref<10000x8xf32, #tpu.memory_space<vmem>>, vector<10000x8xf32>
    tpu.vector_store %arg5[%swap3A, %swap3A_33], %broadcast_in_dim3A_32 {strides = array<i32>} : memref<10000x8xf32, #tpu.memory_space<vmem>>, vector<10000x8xf32>,
    %slice3A_35 = vector.extract_strided_slice %dot_general3A_29 {offsets = [0, 1], sizes = [10000, 1], strides = [1, 1]} : vector<10000x2xf32> to vector<10000x1xf32>
    %get3A_36 = arith.constant 0 : index
    %get3A_37 = arith.constant 0 : index
    %get3A_38 = vector.load %arg4[%get3A_36, %get3A_37] : memref<1x1xf32, #tpu.memory_space<vmem>>, vector<1x1xf32>
    %add3A_39 = vector.broadcast %get3A_38 : vector<1x1xf32> to vector<10000x1xf32>
    %add3A_40 = arith.addf %slice3A_35, %add3A_39 : vector<10000x1xf32>
    %broadcast_in_dim3A_41 = vector.shape_cast %add3A_40 : vector<10000x1xf32> to vector<10000x1xf32>
    %broadcast_in_dim3A_42 = vector.broadcast %broadcast_in_dim3A_41 : vector<10000x1xf32> to vector<10000x8xf32>
    %swap3A_43 = arith.constant 0 : index
    %swap3A_44 = arith.constant 0 : index
    %swap3A_45 = vector.load %arg6[%swap3A_43, %swap3A_44] : memref<10000x8xf32, #tpu.memory_space<vmem>>, vector<10000x8xf32>
    tpu.vector_store %arg6[%swap3A_43, %swap3A_44], %broadcast_in_dim3A_42 {strides = array<i32>} : memref<10000x8xf32, #tpu.memory_space<vmem>>, vector<10000x8xf32>,
    return
  }
}

module attributes {stable_mosaic.version = 14 : i64} {
  func.func @body(%arg0: memref<2x10112x8xf32, #tpu.memory_space<vmem>>, %arg1: memref<2x16x10112xf32, #tpu.memory_space<vmem>>, %arg2: memref<10000x8xf32, #tpu.memory_space<vmem>>, %arg3: memref<10000xf32, #tpu.memory_space<vmem>>) attributes {dimension_semantics = [], scalar_prefetch = 0 : i64, scratch_operands = 0 : i64, tpu.core_type = #tpu.core_type<tc>} {
    %get3A = arith.constant 0 : index
    %get3A_0 = arith.constant 0 : index
    %get3A_1 = arith.constant 0 : index
    %get3A_2 = vector.load %arg0[%get3A, %get3A_0, %get3A_1] : memref<2x10112x8xf32, #tpu.memory_space<vmem>>, vector<1x10000x1xf32>
    %get3A_3 = vector.shape_cast %get3A_2 : vector<1x10000x1xf32> to vector<10000xf32>
    %get3A_4 = arith.constant 1 : index
    %get3A_5 = arith.constant 0 : index
    %get3A_6 = arith.constant 0 : index
    %get3A_7 = vector.load %arg0[%get3A_4, %get3A_5, %get3A_6] : memref<2x10112x8xf32, #tpu.memory_space<vmem>>, vector<1x10000x1xf32>
    %get3A_8 = vector.shape_cast %get3A_7 : vector<1x10000x1xf32> to vector<10000xf32>
    %add3A = arith.addf %get3A_3, %get3A_8 : vector<10000xf32>
    %get3A_9 = arith.constant 0 : index
    %get3A_10 = arith.constant 0 : index
    %get3A_11 = arith.constant 0 : index
    %get3A_12 = vector.load %arg1[%get3A_9, %get3A_10, %get3A_11] : memref<2x16x10112xf32, #tpu.memory_space<vmem>>, vector<2x16x10112xf32>
    %reshape3A = vector.shape_cast %get3A_12 : vector<2x16x10112xf32> to vector<32x10112xf32>
    %reduce_sum3A = arith.constant dense<0.000000e+00> : vector<10112xf32>
    %reduce_sum3A_13 = vector.multi_reduction <add>, %reshape3A, %reduce_sum3A [0] : vector<32x10112xf32> to vector<10112xf32>
    %slice3A = vector.extract_strided_slice %reduce_sum3A_13 {offsets = [0], sizes = [10000], strides = [1]} : vector<10112xf32> to vector<10000xf32>
    %max3A = arith.constant 1.000000e+00 : f32
    %max3A_14 = vector.broadcast %max3A : f32 to vector<10000xf32>
    %max3A_15 = arith.maximumf %slice3A, %max3A_14 : vector<10000xf32>
    %div3A = arith.divf %add3A, %max3A_15 : vector<10000xf32>
    %get3A_16 = arith.constant 0 : index
    %get3A_17 = arith.constant 0 : index
    %get3A_18 = vector.load %arg2[%get3A_16, %get3A_17] : memref<10000x8xf32, #tpu.memory_space<vmem>>, vector<10000x1xf32>
    %get3A_19 = vector.shape_cast %get3A_18 : vector<10000x1xf32> to vector<10000xf32>
    %add3A_20 = arith.addf %div3A, %get3A_19 : vector<10000xf32>
    %logistic3A = arith.negf %add3A_20 : vector<10000xf32>
    %logistic3A_21 = math.exp %logistic3A : vector<10000xf32>
    %logistic3A_22 = arith.constant 1.000000e+00 : f32
    %logistic3A_23 = vector.broadcast %logistic3A_22 : f32 to vector<10000xf32>
    %logistic3A_24 = arith.addf %logistic3A_23, %logistic3A_21 : vector<10000xf32>
    %logistic3A_25 = arith.divf %logistic3A_23, %logistic3A_24 : vector<10000xf32>
    %swap3A = arith.constant 0 : index
    %swap3A_26 = vector.load %arg3[%swap3A] : memref<10000xf32, #tpu.memory_space<vmem>>, vector<10000xf32>
    tpu.vector_store %arg3[%swap3A], %logistic3A_25 {strides = array<i32>} : memref<10000xf32, #tpu.memory_space<vmem>>, vector<10000xf32>,
    return
  }
}

</mosaic_0001>

<sc_bundles>
// kernel: kernel.10.cloned.1.call-start
scs
__scs_entry_jumppad:
0x0: {  	(pc) =	sbr.rel $0x88, $3  }
0x1: {  	(tag) =	ssettag $0x0;
	lr =	simm.s32 $0x1  }
0x2: {  	[smem:$0x3F99] =	sst lr;
	_ =	strace $0xD0000000  }
0x3: {  	_ = 	snop  }
0x4: {  	_ = 	snop  }
0x5: {  	_ = 	snop  }
0x6: {  	_ = 	snop  }
0x7: {  	_ = 	snop  }
__scs_overlays_trampoline_lowered:
0x8: {  	[smem:$0x3FA8] =	sst s0  }
0x9: {  	[smem:$0x3FA9] =	sst s1  }
0xa: {  	[smem:$0x3FAA] =	sst s2  }
0xb: {  	[smem:$0x3FAB] =	sst s3  }
0xc: {  	[smem:$0x3FAC] =	sst s4  }
0xd: {  	[smem:$0x3FAD] =	sst s5  }
0xe: {  	[smem:$0x3FAE] =	sst s6  }
0xf: {  	[smem:$0x3FAF] =	sst s7  }
0x10: {  	[smem:$0x3FB0] =	sst s8  }
0x11: {  	[smem:$0x3FB1] =	sst s9;
	s0 =	simm.s32 @!p0 $0x0  }
0x12: {  	s1 =	sld [smem:$0x3F97];
	s0 =	simm.s32 @p0 $0x1  }
0x13: {  	[smem:$0x3FB2] =	sst s0;
	s0 =	simm.s32 @!p1 $0x0  }
0x14: {  	s2 =	sld [smem:$0x3F96];
	s0 =	simm.s32 @p1 $0x1  }
0x15: {  	[smem:$0x3FB3] =	sst s0;
	s0 =	simm.s32 @!p2 $0x0  }
0x16: {  	s3 =	sld [smem:$0x3FDB];
	s0 =	simm.s32 @p2 $0x1  }
0x17: {  	s4 =	simm.s32 $0x1BF5;
	[smem:$0x3FB5] =	sst s0  }
0x18: {  	s0 =	sld [smem:$0x3F98];
	_ =	swait.ge [sflag:s4], $0x0  }
0x19: {  	s7 =	sld [smem:$0x3F99]  }
0x1a: {  	s8 =	sadd.s32 $0xFFFFE003, lr  }
0x1b: {  	s9 =	sadd.s32 $0xFFFFFEF7, lr;
	s5 =	simm.s32 $0xFFFFFFFF;
	p2 =	slt.u32 s8, $0xFFFFF086  }
0x1c: {  	p1 =	slt.u32 s9, $0xF7A;
	s5 =	simm.s32 @!p2 $0x0  }
0x1d: {  	s5 =	simm.s32 @p1 $0x1;
	p0 =	seq.s32 s7, s2  }
0x1e: {  	s7 =	smul.u32 @!p0 $0xF7A, s2;
	p2 =	seq.s32 @!p0 s5, $0x0  }
0x1f: {  	s9 =	smul.u32 $0xF7A, s1;
	s8 =	simm.s32 @!p0 $0x1BF5;
	p2 =	por !p2, p0  }
0x20: {  	[sflag:s8] =	ssyncset.s32 @!p0 $0xFFFFF086;
	s6 =	sadd.s32 @!p0 s3, s7;
	s7 =	simm.s32 @!p0 $0x108  }
0x21: {  	s3 =	sadd.s32 s3, s9;
	s6 =	sadd.s32 @!p0 $0x88, s6;
	s7 =	simm.s32 @p2 $0x1082  }
0x22: {  	[simem:s7], [sflag:s8] =	dma.local @!p0 [hbm:s6], $0xF7A  }
0x23: {  	s9 =	sor.u32 $0xD0000000, s2;
	s6 =	simm.s32 $0x108;
	_ =	swait.ge @!p0 [sflag:s8], $0x0  }
0x24: {  	s3 =	sadd.s32 $0x88, s3;
	s6 =	simm.s32 @!p1 $0x1082;
	[sflag:s4] =	ssyncset.s32 $0xFFFFF086  }
0x25: {  	[simem:s6], [sflag:s4] =	dma.local [hbm:s3], $0xF7A  }
0x26: {  	[smem:$0x3F99] =	sst s1;
	(tag) =	ssettag s2;
	_ =	strace s9  }
0x27: {  	s1 =	sld [smem:$0x3FA9]  }
0x28: {  	s2 =	sld [smem:$0x3FAA]  }
0x29: {  	s4 =	sld [smem:$0x3FAC]  }
0x2a: {  	p0 =	seq.s32 s5, $0x0;
	s5 =	sld [smem:$0x3FAD]  }
0x2b: {  	s6 =	sld [smem:$0x3FAE]  }
0x2c: {  	s7 =	sld [smem:$0x3FAF]  }
0x2d: {  	s3 =	simm.s32 $0x108;
	s8 =	sld [smem:$0x3FB0]  }
0x2e: {  	s3 =	simm.s32 @!p0 $0x1082;
	s9 =	sld [smem:$0x3FB1]  }
0x2f: {  	lr =	sadd.s32 s0, s3;
	s0 =	sld [smem:$0x3FA8]  }
0x30: {  	s3 =	sld [smem:$0x3FAB]  }
0x31: {  	[smem:$0x3FB4] =	sst s10  }
0x32: {  	s10 =	sld [smem:$0x3FB2];
	_ =	sdelay $0x3  }
0x33: {  	p0 =	seq.s32 s10, $0x1;
	s10 =	sld [smem:$0x3FB4];
	_ =	sdelay $0x3  }
0x34: {  	[smem:$0x3FB4] =	sst s10  }
0x35: {  	s10 =	sld [smem:$0x3FB3];
	_ =	sdelay $0x3  }
0x36: {  	p1 =	seq.s32 s10, $0x1;
	s10 =	sld [smem:$0x3FB4];
	_ =	sdelay $0x3  }
0x37: {  	[smem:$0x3FB4] =	sst s10  }
0x38: {  	s10 =	sld [smem:$0x3FB5]  }
0x39: {  	_ = 	snop;
	(pc) =	sbr.ind lr, $3  }
0x3a: {  	_ = 	snop  }
0x3b: {  	_ = 	snop  }
0x3c: {  	p2 =	seq.s32 s10, $0x1;
	s10 =	sld [smem:$0x3FB4]  }
0x3d: {  	_ =	shalt  }
0x3e: {  	_ =	shalt  }
0x3f: {  	_ =	shalt  }
0x40: {  	_ =	shalt  }
0x41: {  	_ =	shalt  }
0x42: {  	_ =	shalt  }
0x43: {  	_ =	shalt  }
0x44: {  	_ =	shalt  }
0x45: {  	_ =	shalt  }
0x46: {  	_ =	shalt  }
0x47: {  	_ =	shalt  }
0x48: {  	_ =	shalt  }
0x49: {  	_ =	shalt  }
0x4a: {  	_ =	shalt  }
0x4b: {  	_ =	shalt  }
0x4c: {  	_ =	shalt  }
0x4d: {  	_ =	shalt  }
0x4e: {  	_ =	shalt  }
0x4f: {  	_ =	shalt  }
0x50: {  	_ =	shalt  }
0x51: {  	_ =	shalt  }
0x52: {  	_ =	shalt  }
0x53: {  	_ =	shalt  }
0x54: {  	_ =	shalt  }
0x55: {  	_ =	shalt  }
0x56: {  	_ =	shalt  }
0x57: {  	_ =	shalt  }
0x58: {  	_ =	shalt  }
0x59: {  	_ =	shalt  }
0x5a: {  	_ =	shalt  }
0x5b: {  	_ =	shalt  }
0x5c: {  	_ =	shalt  }
0x5d: {  	_ =	shalt  }
0x5e: {  	_ =	shalt  }
0x5f: {  	_ =	shalt  }
0x60: {  	_ =	shalt  }
0x61: {  	_ =	shalt  }
0x62: {  	_ =	shalt  }
0x63: {  	_ =	shalt  }
0x64: {  	_ =	shalt  }
0x65: {  	_ =	shalt  }
0x66: {  	_ =	shalt  }
0x67: {  	_ =	shalt  }
0x68: {  	_ =	shalt  }
0x69: {  	_ =	shalt  }
0x6a: {  	_ =	shalt  }
0x6b: {  	_ =	shalt  }
0x6c: {  	_ =	shalt  }
0x6d: {  	_ =	shalt  }
0x6e: {  	_ =	shalt  }
0x6f: {  	_ =	shalt  }
0x70: {  	_ =	shalt  }
0x71: {  	_ =	shalt  }
0x72: {  	_ =	shalt  }
0x73: {  	_ =	shalt  }
0x74: {  	_ =	shalt  }
0x75: {  	_ =	shalt  }
0x76: {  	_ =	shalt  }
0x77: {  	_ =	shalt  }
0x78: {  	_ =	shalt  }
0x79: {  	_ =	shalt  }
0x7a: {  	_ =	shalt  }
0x7b: {  	_ =	shalt  }
0x7c: {  	_ =	shalt  }
0x7d: {  	_ =	shalt  }
0x7e: {  	_ =	shalt  }
0x7f: {  	_ =	shalt  }
0x80: {  	_ =	shalt  }
0x81: {  	_ =	shalt  }
0x82: {  	_ =	shalt  }
0x83: {  	_ =	shalt  }
0x84: {  	_ =	shalt  }
0x85: {  	_ =	shalt  }
0x86: {  	_ =	shalt  }
0x87: {  	_ =	shalt  }
.Lfunc_end0:
.L_simem_size_0:
called_computation.1_lowered:
.L_overlay_start_0:
0x88: {  	s2 =	sld [smem:$0x3FD9]  }
0x89: {  	s3 =	sld [smem:$0x3FFE];
	_ =	sdelay $0x1  }
0x8a: {  	s1 =	srdreg.scid  }
0x8b: {  	s0 =	sand.u32 $0x1, s1  }
0x8c: {  	s16 =	sshll.u32 s0, $0xA;
	s2 =	sadd.s32 s3, s2  }
0x8d: {  	s2 =	sadd.s32 s2, s16  }
0x8e: {  	[smem:$0x3FC0] =	sst s2  }
0x8f: {  	_ = 	snop  }
0x90: {  	(tm) =	ssettm $0x1  }
0x91: {  	s17 =	sld [smem:$0x3FFB];
	_ =	sdelay $0x3  }
0x92: {  	_ =	strace s17  }
0x93: {  	s2 =	sld [smem:$0x3FFC];
	_ =	sdelay $0x3  }
0x94: {  	_ =	strace s2  }
0x95: {  	s2 =	sld [smem:$0x3FFD];
	_ =	sdelay $0x3  }
0x96: {  	_ =	strace s2  }
0x97: {  	_ =	strace $0x8FFFFFFF  }
0x98: {  	s18 =	sld [smem:$0x3FDB];
	_ =	sdelay $0x1  }
0x99: {  	s19 =	simm.s32 $_scs_section_size  }
0x9a: {  	s4 =	simm.s32 $_size__tile_overlayer_lowered;
	s5 =	simm.s32 $_tile_overlayer_lowered  }
0x9b: {  	s22 =	simm.s32 $0x1BFF;
	s21 =	sshll.u32 s5, $0x1;
	s2 =	sadd.s32 s19, s18  }
0x9c: {  	s6 =	simm.s32 $0x0;
	s20 =	sshll.u32 s4, $0x1;
	s4 =	sadd.s32 s21, s2  }
0x9d: {  	[timem:s6], [sflag:s22] =	dma.local [hbm:s4], s20  }
0x9e: {  	_ =	swait.ge [sflag:s22], s20  }
0x9f: {  	s3 =	ssub.s32 $0x0, s20;
	[sflag:s22] =	ssyncset.done $0x0  }
0xa0: {  	[sflag:s22] =	ssyncadd.s32 s3;
	_ =	sdelay $0x1  }
0xa1: {  	s23 =	simm.s32 $0x1B8B  }
0xa2: {  	_ =	swait.ge [sflag:s23], $0x1  }
0xa3: {  	[sflag:s23] =	ssyncset.done $0x0  }
0xa4: {  	s25 =	simm.s32 $0x1B8E;
	s24 =	sld [smem:$0x3FFE];
	[sflag:s23] =	ssyncadd.s32 $0xFFFFFFFF  }
0xa5: {  	s26 =	simm.s32 $execute0_lowered;
	[smem:$0x3FD2] =	sst s25  }
0xa6: {  	s4 =	sshll.u32 s26, $0x1;
	_ =	strace $0x80000049;
	[dreg:$0x1] =	wrdreg $0xFFFFFFFF  }
0xa7: {  	s28 =	simm.s32 $_size_execute0_lowered;
	s2 =	sadd.s32 s2, s4;
	[dreg:$0x0] =	wrdreg $0x0  }
0xa8: {  	s4 =	sshll.u32 s28, $0x1;
	[dreg:$0x2] =	wrdreg s2  }
0xa9: {  	[dreg:$0x3] =	wrdreg s4  }
0xaa: {  	[dreg:$0x4] =	wrdreg $0xC0  }
0xab: {  	_ =	task [dreg:s6], $0x5FFFF  }
0xac: {  	[dreg:$0x1] =	wrdreg $0xFFFFFFFF  }
0xad: {  	[dreg:$0x0] =	wrdreg $0x60  }
0xae: {  	[dreg:$0x2] =	wrdreg s24  }
0xaf: {  	[dreg:$0x3] =	wrdreg $0x58000  }
0xb0: {  	[dreg:$0x4] =	wrdreg $0x6BC00  }
0xb1: {  	[dreg:$0x5] =	wrdreg $0x9  }
0xb2: {  	_ =	task.clear_ibuf [dreg:s6], $0x6FFFF;
	_ =	strace $0x90000049  }
0xb3: {  	s29 =	simm.s32 $0x9;
	_ =	strace $0x8000004B  }
0xb4: {  	_ =	swait.ge [sflag:s29], $0x1  }
0xb5: {  	[sflag:s29] =	ssyncadd.s32 $0xFFFFFFFF  }
0xb6: {  	_ =	strace $0x9000004B  }
0xb7: {  	_ =	sfence  }
0xb8: {  	s30 =	sld [smem:$0x0];
	_ =	sdelay $0x2  }
0xb9: {  	s31 =	sshll.u32 s1, $0xD;
	s1 =	sshrl.u32 s1, $0x2  }
0xba: {  	s3 =	sand.u32 $0x4000, s31;
	s1 =	sadd.s32 s1, s30  }
0xbb: {  	s0 =	sor.u32 s3, s0;
	s1 =	sshll.u32 s1, $0x11  }
0xbc: {  	s0 =	sor.u32 s1, s0  }
0xbd: {  	s0 =	sadd.s32 $0x8F2B, s0  }
0xbe: {  	[sflag:s0] =	ssyncadd.remote.s32 $0x1  }
0xbf: {  	_ =	sfence.sel $0xFFFF  }
0xc0: {  	[dreg:$0x0] =	wrdreg $0xFFFFFFFF;
	(pc) =	sbr.abs _section_cstart, $3  }
0xc1: {  	[dreg:$0x1] =	wrdreg $0xFFFFFFFF  }
0xc2: {  	_ =	task.clear_ibuf [dreg:s6], $0x2FFFF;
	_ =	strace $0x9FFFFFFF  }
0xc3: {  	(tm) =	ssettm $0x7FFFFFFF  }
tec
execute0_lowered:
.L_overlay_start_1:
0x0: {  	(tag) =	ssettag $0x1  }
0x1: {  	s5 =	rddreg [dreg:$0x0]  }
0x2: {  	s2 =	rddreg [dreg:$0x1]  }
0x3: {  	s3 =	rddreg [dreg:$0x2]  }
0x4: {  	s0 =	rddreg [dreg:$0x3]  }
0x5: {  	s1 =	stileid.u32;
	s6 =	srdreg.scid;
	s4 =	simm.s32 $0x0  }
0x6: {  	s12 =	simm.s32 $0x2800;
	s16 =	simm.s32 $0x80;
	s17 =	simm.s32 $0x5000  }
0x7: {  	s18 =	simm.s32 $0x1;
	s19 =	simm.s32 $0x5400;
	s20 =	simm.s32 $0x2  }
0x8: {  	s21 =	simm.s32 $0x2880;
	s22 =	simm.s32 $0x3;
	s23 =	simm.s32 $0x100  }
0x9: {  	s24 =	simm.s32 $0x4;
	s25 =	simm.s32 $0x0;
	s8 =	smul.u32 $0x13C0, s1  }
0xa: {  	s6 =	sand.u32 $0x1, s6;
	[smem:$0x7FF] =	sst s4;
	s7 =	sshll.u32 s1, $0x1  }
0xb: {  	s13 =	sshll.u32 s1, $0x6;
	s9 =	smul.u32 $0x13C00, s6;
	_ =	strace $0x8000004A  }
0xc: {  	s7 =	sor.u32 s6, s7;
	s6 =	ssub.s32 $0x2, s6;
	s13 =	sor.u32 $0x1C05, s13  }
0xd: {  	s10 =	sshrl.u32 s8, $0x3;
	s7 =	smul.u32 $0x500, s7;
	s11 =	sshrl.u32 s6, $0x1  }
0xe: {  	s14 =	sadd.s32 s8, s2;
	s15 =	sadd.s32 s8, s3;
	s9 =	sadd.s32 s8, s9  }
.Ltmp0:
0xf: {  	s10 =	sadd.s32 s10, s5;
	s11 =	ssub.s32 s6, s11;
	(pc) =	sbr.rel .LBB2_1-.Ltmp0, $4  }
0x10: {  	s14 =	sshrl.u32 s14, $0x3;
	s15 =	sshrl.u32 s15, $0x3;
	s9 =	sshrl.u32 s9, $0x3  }
0x11: {  	s7 =	sadd.s32 s7, s5;
	s8 =	sadd.s32 $0x1000, s10;
	s9 =	sadd.s32 s9, s5  }
0x12: {  	s5 =	sadd.s32 $0x1EC00, s7;
	s6 =	sadd.s32 $0x14C00, s7;
	s7 =	sadd.s32 $0x3800, s10  }
0x13: {  	s10 =	smax.u32 s11, $0x1;
	s11 =	simm.s32 $0x5;
	s9 =	sadd.s32 $0x6000, s9  }
.LBB2_4:
0x14: {  	_ =	swait.ge [sflag:s24], $0x400  }
0x15: {  	s25 =	sadd.s32 $0x1, s25;
	[sflag:s24] =	ssyncset.done $0x0  }
0x16: {  	p0 =	sne.s32 s25, s10;
	[sflag:s24] =	ssyncadd.s32 $0xFFFFFC00  }
.Ltmp1:
0x17: {  	[bflag:$0x0] =	sbarrier.arrive $0xFFFF;
	(pc) =	sbr.rel @!p0 .LBB2_5-.Ltmp1, $4  }
0x18: {  	[hbm:s9], [sflag:s13] =	dma.local [spmem:s14], $0x278  }
0x19: {  	_ =	swait.ge [sflag:s11], $0x278  }
0x1a: {  	[sflag:s11] =	ssyncset.done $0x0  }
0x1b: {  	[sflag:s11] =	ssyncadd.s32 $0xFFFFFD88  }
.LBB2_1:
0x1c: {  	[tilespmem:s4], [sflag:$0x5] =	stream.linear.gather [hbm4b:s5+s4], $0x2800, $0x38;
	[tilespmem:$0x7F80] =	vst v63  }
0x1d: {  	_ =	swait.ge [sflag:s11], $0x2800  }
0x1e: {  	[sflag:s11] =	ssyncset.done $0x0  }
0x1f: {  	[sflag:s11] =	ssyncadd.s32 $0xFFFFD800  }
0x20: {  	[tilespmem:s12], [sflag:$0x5] =	stream.linear.gather [hbm4b:s6+s4], $0x2800, $0x38;
	[tilespmem:$0x7F80] =	vst v63  }
0x21: {  	_ =	swait.ge [sflag:s11], $0x2800  }
0x22: {  	[sflag:s11] =	ssyncset.done $0x0  }
0x23: {  	[sflag:s11] =	ssyncadd.s32 $0xFFFFD800  }
0x24: {  	[spmem:s14], [sflag:s13] =	dma.local [hbm:s7], $0x278  }
0x25: {  	_ =	swait.ge [sflag:s11], $0x278  }
0x26: {  	[sflag:s11] =	ssyncset.done $0x0  }
0x27: {  	[sflag:s11] =	ssyncadd.s32 $0xFFFFFD88  }
0x28: {  	[spmem:s15], [sflag:s13] =	dma.local [hbm:s8], $0x278  }
0x29: {  	_ =	swait.ge [sflag:s11], $0x278  }
0x2a: {  	[sflag:s11] =	ssyncset.done $0x0  }
0x2b: {  	[sflag:s11] =	ssyncadd.s32 $0xFFFFFD88  }
0x2c: {  	[bflag:$0x0] =	sbarrier.arrive $0xFFFF  }
0x2d: {  	[tilespmem:s17], [sflag:$0x1] =	stream.indirect.gather [spmem:s3], $0x8, s4, s16, $0xb8;
	[tilespmem:$0x7F80] =	vst v63  }
0x2e: {  	_ =	swait.ge [sflag:s18], $0x400  }
0x2f: {  	[sflag:s18] =	ssyncset.done $0x0  }
0x30: {  	[sflag:s18] =	ssyncadd.s32 $0xFFFFFC00  }
0x31: {  	[spmem:s2] =	stream.indirect.scatter.add.f32 [tilespmem:s17], [sflag:$0x3], $0x8, s12, s16, $0xb8;
	[tilespmem:$0x7F80] =	vst v63  }
0x32: {  	_ = 	snop  }
0x33: {  	[tilespmem:s19], [sflag:$0x2] =	stream.indirect.gather [spmem:s3], $0x8, s16, s16, $0xb8;
	[tilespmem:$0x7F80] =	vst v63  }
0x34: {  	_ =	swait.ge [sflag:s20], $0x400  }
0x35: {  	[sflag:s20] =	ssyncset.done $0x0  }
0x36: {  	[sflag:s20] =	ssyncadd.s32 $0xFFFFFC00  }
0x37: {  	[spmem:s2] =	stream.indirect.scatter.add.f32 [tilespmem:s19], [sflag:$0x4], $0x8, s21, s16, $0xb8;
	[tilespmem:$0x7F80] =	vst v63  }
0x38: {  	_ =	swait.ge [sflag:s22], $0x400  }
0x39: {  	[sflag:s22] =	ssyncset.done $0x0  }
0x3a: {  	s26 =	simm.s32 $0xFFFF6800;
	[sflag:s22] =	ssyncadd.s32 $0xFFFFFC00  }
0x3b: {  	[tilespmem:s17], [sflag:$0x1] =	stream.indirect.gather [spmem:s3], $0x8, s23, s16, $0xb8;
	[tilespmem:$0x7F80] =	vst v63  }
.LBB2_2:
0x3c: {  	_ =	swait.ge [sflag:s18], $0x400  }
0x3d: {  	s28 =	sshra.s32 s26, $0x2;
	[sflag:s18] =	ssyncset.done $0x0  }
0x3e: {  	s29 =	sadd.s32 $0x4F00, s28;
	[sflag:s18] =	ssyncadd.s32 $0xFFFFFC00  }
0x3f: {  	[spmem:s2] =	stream.indirect.scatter.add.f32 [tilespmem:s17], [sflag:$0x3], $0x8, s29, s16, $0xb8;
	[tilespmem:$0x7F80] =	vst v63  }
0x40: {  	_ =	swait.ge [sflag:s24], $0x400  }
0x41: {  	[sflag:s24] =	ssyncset.done $0x0  }
0x42: {  	s30 =	sadd.s32 $0x2780, s28;
	[sflag:s24] =	ssyncadd.s32 $0xFFFFFC00  }
0x43: {  	[tilespmem:s19], [sflag:$0x2] =	stream.indirect.gather [spmem:s3], $0x8, s30, s16, $0xb8;
	[tilespmem:$0x7F80] =	vst v63  }
0x44: {  	_ =	swait.ge [sflag:s20], $0x400  }
0x45: {  	p0 =	seq.s32 s26, $0x0;
	[sflag:s20] =	ssyncset.done $0x0  }
.Ltmp2:
0x46: {  	s31 =	sadd.s32 $0x4F80, s28;
	[sflag:s20] =	ssyncadd.s32 $0xFFFFFC00;
	(pc) =	sbr.rel @p0 .LBB2_4-.Ltmp2, $4  }
0x47: {  	[spmem:s2] =	stream.indirect.scatter.add.f32 [tilespmem:s19], [sflag:$0x4], $0x8, s31, s16, $0xb8;
	[tilespmem:$0x7F80] =	vst v63  }
0x48: {  	_ =	swait.ge [sflag:s22], $0x400  }
0x49: {  	[sflag:s22] =	ssyncset.done $0x0  }
0x4a: {  	[sflag:s22] =	ssyncadd.s32 $0xFFFFFC00  }
.Ltmp3:
0x4b: {  	(pc) =	sbr.rel .LBB2_2-.Ltmp3, $3  }
0x4c: {  	_ =	sdelay $0x1  }
0x4d: {  	s28 =	sadd.s32 $0x2800, s28;
	s26 =	sadd.s32 $0x400, s26  }
0x4e: {  	[tilespmem:s17], [sflag:$0x1] =	stream.indirect.gather [spmem:s3], $0x8, s28, s16, $0xb8;
	[tilespmem:$0x7F80] =	vst v63  }
.LBB2_5:
0x4f: {  	_ =	sfence.sel $0x180000  }
0x50: {  	[bflag:$0x0] =	sbarrier.arrive $0xFFFF  }
0x51: {  	p0 =	sne.s32 s1, $0x0;
	_ =	strace $0x9000004A  }
0x52: {  	s0 =	sadd.s32 @!p0 $0x100000, s0;
	[bflag:$0x2] =	sbarrier.arrive $0xFFFF  }
0x53: {  	[sflag:s0] =	ssyncadd.tile.s32 @!p0 $0x1;
	_ =	shalt  }
.Lfunc_end2:
_tile_overlayer_lowered:
.L_overlay_start_2:
0x54: {  	(tag) =	ssettag $0x2  }
0x55: {  	s0 =	rddreg [dreg:$0x0];
	s2 =	stileid.u32  }
0x56: {  	s1 =	rddreg [dreg:$0x1];
	p0 =	sne.s32 s2, $0x0  }
0x57: {  	s3 =	rddreg [dreg:$0x2];
	[bflag:$0x3] =	sbarrier.arrive $0xFFFF;
	s2 =	simm.s32 @!p0 $0x1C05  }
0x58: {  	[timem:s3], [sflag:s2] =	dma.local @!p0 [hbm:s0], s1  }
0x59: {  	s0 =	simm.s32 @!p0 $0x5  }
0x5a: {  	_ =	swait.ge @!p0 [sflag:s0], s1  }
0x5b: {  	s1 =	ssub.s32 @!p0 $0x0, s1;
	[sflag:s0] =	ssyncset.done @!p0 $0x0  }
0x5c: {  	[sflag:s0] =	ssyncadd.s32 @!p0 s1  }
0x5d: {  	[bflag:$0x3] =	sbarrier.arrive $0xFFFF  }
0x5e: {  	_ =	shalt  }

// kernel: kernel.7.cloned.1.call-start
scs
__scs_entry_jumppad:
0x0: {  	(pc) =	sbr.rel $0x88, $3  }
0x1: {  	(tag) =	ssettag $0x0;
	lr =	simm.s32 $0x1  }
0x2: {  	[smem:$0x3F99] =	sst lr;
	_ =	strace $0xD0000000  }
0x3: {  	_ = 	snop  }
0x4: {  	_ = 	snop  }
0x5: {  	_ = 	snop  }
0x6: {  	_ = 	snop  }
0x7: {  	_ = 	snop  }
__scs_overlays_trampoline_lowered:
0x8: {  	[smem:$0x3FA8] =	sst s0  }
0x9: {  	[smem:$0x3FA9] =	sst s1  }
0xa: {  	[smem:$0x3FAA] =	sst s2  }
0xb: {  	[smem:$0x3FAB] =	sst s3  }
0xc: {  	[smem:$0x3FAC] =	sst s4  }
0xd: {  	[smem:$0x3FAD] =	sst s5  }
0xe: {  	[smem:$0x3FAE] =	sst s6  }
0xf: {  	[smem:$0x3FAF] =	sst s7  }
0x10: {  	[smem:$0x3FB0] =	sst s8  }
0x11: {  	[smem:$0x3FB1] =	sst s9;
	s0 =	simm.s32 @!p0 $0x0  }
0x12: {  	s1 =	sld [smem:$0x3F97];
	s0 =	simm.s32 @p0 $0x1  }
0x13: {  	[smem:$0x3FB2] =	sst s0;
	s0 =	simm.s32 @!p1 $0x0  }
0x14: {  	s2 =	sld [smem:$0x3F96];
	s0 =	simm.s32 @p1 $0x1  }
0x15: {  	[smem:$0x3FB3] =	sst s0;
	s0 =	simm.s32 @!p2 $0x0  }
0x16: {  	s3 =	sld [smem:$0x3FDB];
	s0 =	simm.s32 @p2 $0x1  }
0x17: {  	s4 =	simm.s32 $0x1BF5;
	[smem:$0x3FB5] =	sst s0  }
0x18: {  	s0 =	sld [smem:$0x3F98];
	_ =	swait.ge [sflag:s4], $0x0  }
0x19: {  	s7 =	sld [smem:$0x3F99]  }
0x1a: {  	s8 =	sadd.s32 $0xFFFFE003, lr  }
0x1b: {  	s9 =	sadd.s32 $0xFFFFFEF7, lr;
	s5 =	simm.s32 $0xFFFFFFFF;
	p2 =	slt.u32 s8, $0xFFFFF086  }
0x1c: {  	p1 =	slt.u32 s9, $0xF7A;
	s5 =	simm.s32 @!p2 $0x0  }
0x1d: {  	s5 =	simm.s32 @p1 $0x1;
	p0 =	seq.s32 s7, s2  }
0x1e: {  	s7 =	smul.u32 @!p0 $0xF7A, s2;
	p2 =	seq.s32 @!p0 s5, $0x0  }
0x1f: {  	s9 =	smul.u32 $0xF7A, s1;
	s8 =	simm.s32 @!p0 $0x1BF5;
	p2 =	por !p2, p0  }
0x20: {  	[sflag:s8] =	ssyncset.s32 @!p0 $0xFFFFF086;
	s6 =	sadd.s32 @!p0 s3, s7;
	s7 =	simm.s32 @!p0 $0x108  }
0x21: {  	s3 =	sadd.s32 s3, s9;
	s6 =	sadd.s32 @!p0 $0x88, s6;
	s7 =	simm.s32 @p2 $0x1082  }
0x22: {  	[simem:s7], [sflag:s8] =	dma.local @!p0 [hbm:s6], $0xF7A  }
0x23: {  	s9 =	sor.u32 $0xD0000000, s2;
	s6 =	simm.s32 $0x108;
	_ =	swait.ge @!p0 [sflag:s8], $0x0  }
0x24: {  	s3 =	sadd.s32 $0x88, s3;
	s6 =	simm.s32 @!p1 $0x1082;
	[sflag:s4] =	ssyncset.s32 $0xFFFFF086  }
0x25: {  	[simem:s6], [sflag:s4] =	dma.local [hbm:s3], $0xF7A  }
0x26: {  	[smem:$0x3F99] =	sst s1;
	(tag) =	ssettag s2;
	_ =	strace s9  }
0x27: {  	s1 =	sld [smem:$0x3FA9]  }
0x28: {  	s2 =	sld [smem:$0x3FAA]  }
0x29: {  	s4 =	sld [smem:$0x3FAC]  }
0x2a: {  	p0 =	seq.s32 s5, $0x0;
	s5 =	sld [smem:$0x3FAD]  }
0x2b: {  	s6 =	sld [smem:$0x3FAE]  }
0x2c: {  	s7 =	sld [smem:$0x3FAF]  }
0x2d: {  	s3 =	simm.s32 $0x108;
	s8 =	sld [smem:$0x3FB0]  }
0x2e: {  	s3 =	simm.s32 @!p0 $0x1082;
	s9 =	sld [smem:$0x3FB1]  }
0x2f: {  	lr =	sadd.s32 s0, s3;
	s0 =	sld [smem:$0x3FA8]  }
0x30: {  	s3 =	sld [smem:$0x3FAB]  }
0x31: {  	[smem:$0x3FB4] =	sst s10  }
0x32: {  	s10 =	sld [smem:$0x3FB2];
	_ =	sdelay $0x3  }
0x33: {  	p0 =	seq.s32 s10, $0x1;
	s10 =	sld [smem:$0x3FB4];
	_ =	sdelay $0x3  }
0x34: {  	[smem:$0x3FB4] =	sst s10  }
0x35: {  	s10 =	sld [smem:$0x3FB3];
	_ =	sdelay $0x3  }
0x36: {  	p1 =	seq.s32 s10, $0x1;
	s10 =	sld [smem:$0x3FB4];
	_ =	sdelay $0x3  }
0x37: {  	[smem:$0x3FB4] =	sst s10  }
0x38: {  	s10 =	sld [smem:$0x3FB5]  }
0x39: {  	_ = 	snop;
	(pc) =	sbr.ind lr, $3  }
0x3a: {  	_ = 	snop  }
0x3b: {  	_ = 	snop  }
0x3c: {  	p2 =	seq.s32 s10, $0x1;
	s10 =	sld [smem:$0x3FB4]  }
0x3d: {  	_ =	shalt  }
0x3e: {  	_ =	shalt  }
0x3f: {  	_ =	shalt  }
0x40: {  	_ =	shalt  }
0x41: {  	_ =	shalt  }
0x42: {  	_ =	shalt  }
0x43: {  	_ =	shalt  }
0x44: {  	_ =	shalt  }
0x45: {  	_ =	shalt  }
0x46: {  	_ =	shalt  }
0x47: {  	_ =	shalt  }
0x48: {  	_ =	shalt  }
0x49: {  	_ =	shalt  }
0x4a: {  	_ =	shalt  }
0x4b: {  	_ =	shalt  }
0x4c: {  	_ =	shalt  }
0x4d: {  	_ =	shalt  }
0x4e: {  	_ =	shalt  }
0x4f: {  	_ =	shalt  }
0x50: {  	_ =	shalt  }
0x51: {  	_ =	shalt  }
0x52: {  	_ =	shalt  }
0x53: {  	_ =	shalt  }
0x54: {  	_ =	shalt  }
0x55: {  	_ =	shalt  }
0x56: {  	_ =	shalt  }
0x57: {  	_ =	shalt  }
0x58: {  	_ =	shalt  }
0x59: {  	_ =	shalt  }
0x5a: {  	_ =	shalt  }
0x5b: {  	_ =	shalt  }
0x5c: {  	_ =	shalt  }
0x5d: {  	_ =	shalt  }
0x5e: {  	_ =	shalt  }
0x5f: {  	_ =	shalt  }
0x60: {  	_ =	shalt  }
0x61: {  	_ =	shalt  }
0x62: {  	_ =	shalt  }
0x63: {  	_ =	shalt  }
0x64: {  	_ =	shalt  }
0x65: {  	_ =	shalt  }
0x66: {  	_ =	shalt  }
0x67: {  	_ =	shalt  }
0x68: {  	_ =	shalt  }
0x69: {  	_ =	shalt  }
0x6a: {  	_ =	shalt  }
0x6b: {  	_ =	shalt  }
0x6c: {  	_ =	shalt  }
0x6d: {  	_ =	shalt  }
0x6e: {  	_ =	shalt  }
0x6f: {  	_ =	shalt  }
0x70: {  	_ =	shalt  }
0x71: {  	_ =	shalt  }
0x72: {  	_ =	shalt  }
0x73: {  	_ =	shalt  }
0x74: {  	_ =	shalt  }
0x75: {  	_ =	shalt  }
0x76: {  	_ =	shalt  }
0x77: {  	_ =	shalt  }
0x78: {  	_ =	shalt  }
0x79: {  	_ =	shalt  }
0x7a: {  	_ =	shalt  }
0x7b: {  	_ =	shalt  }
0x7c: {  	_ =	shalt  }
0x7d: {  	_ =	shalt  }
0x7e: {  	_ =	shalt  }
0x7f: {  	_ =	shalt  }
0x80: {  	_ =	shalt  }
0x81: {  	_ =	shalt  }
0x82: {  	_ =	shalt  }
0x83: {  	_ =	shalt  }
0x84: {  	_ =	shalt  }
0x85: {  	_ =	shalt  }
0x86: {  	_ =	shalt  }
0x87: {  	_ =	shalt  }
.Lfunc_end0:
.L_simem_size_0:
called_computation_lowered:
.L_overlay_start_0:
0x88: {  	s2 =	sld [smem:$0x3FD9]  }
0x89: {  	s3 =	sld [smem:$0x3FFE];
	_ =	sdelay $0x1  }
0x8a: {  	s1 =	srdreg.scid  }
0x8b: {  	s0 =	sand.u32 $0x1, s1  }
0x8c: {  	s17 =	sshll.u32 s0, $0xA;
	s2 =	sadd.s32 s3, s2  }
0x8d: {  	s2 =	sadd.s32 s2, s17  }
0x8e: {  	[smem:$0x3FC0] =	sst s2  }
0x8f: {  	_ = 	snop  }
0x90: {  	s2 =	sld [smem:$0x3FD0];
	(tm) =	ssettm $0x1  }
0x91: {  	s18 =	sld [smem:$0x3FFB];
	_ =	sdelay $0x3  }
0x92: {  	_ =	strace s18  }
0x93: {  	s3 =	sld [smem:$0x3FFC];
	_ =	sdelay $0x3  }
0x94: {  	_ =	strace s3  }
0x95: {  	s3 =	sld [smem:$0x3FFD];
	_ =	sdelay $0x3  }
0x96: {  	_ =	strace s3  }
0x97: {  	_ =	strace $0x8FFFFFFF  }
0x98: {  	s19 =	sld [smem:$0x3FDB];
	_ =	sdelay $0x1  }
0x99: {  	s4 =	simm.s32 $_scs_section_size  }
0x9a: {  	s5 =	simm.s32 $_size__tile_overlayer_lowered;
	s6 =	simm.s32 $_tile_overlayer_lowered  }
0x9b: {  	s22 =	simm.s32 $0x1BFF;
	s21 =	sshll.u32 s6, $0x1;
	s3 =	sadd.s32 s4, s19  }
0x9c: {  	s7 =	simm.s32 $0x0;
	s20 =	sshll.u32 s5, $0x1;
	s5 =	sadd.s32 s21, s3  }
0x9d: {  	[timem:s7], [sflag:s22] =	dma.local [hbm:s5], s20  }
0x9e: {  	_ =	swait.ge [sflag:s22], s20  }
0x9f: {  	s4 =	ssub.s32 $0x0, s20;
	[sflag:s22] =	ssyncset.done $0x0  }
0xa0: {  	[sflag:s22] =	ssyncadd.s32 s4;
	_ =	sdelay $0x1  }
0xa1: {  	s23 =	simm.s32 $0x1B8B  }
0xa2: {  	_ =	swait.ge [sflag:s23], $0x1  }
0xa3: {  	[sflag:s23] =	ssyncset.done $0x0  }
0xa4: {  	s25 =	simm.s32 $0x1B8E;
	s24 =	sld [smem:$0x3FFE];
	[sflag:s23] =	ssyncadd.s32 $0xFFFFFFFF  }
0xa5: {  	s26 =	simm.s32 $execute0_lowered;
	[smem:$0x3FD2] =	sst s25  }
0xa6: {  	s5 =	sshll.u32 s26, $0x1;
	_ =	strace $0x80000046;
	[dreg:$0x1] =	wrdreg $0xFFFFFFFF  }
0xa7: {  	s28 =	simm.s32 $_size_execute0_lowered;
	s3 =	sadd.s32 s3, s5;
	[dreg:$0x0] =	wrdreg $0x0  }
0xa8: {  	s5 =	sshll.u32 s28, $0x1;
	[dreg:$0x2] =	wrdreg s3  }
0xa9: {  	[dreg:$0x3] =	wrdreg s5  }
0xaa: {  	[dreg:$0x4] =	wrdreg $0xC0  }
0xab: {  	_ =	task [dreg:s7], $0x5FFFF  }
0xac: {  	[dreg:$0x1] =	wrdreg $0xFFFFFFFF  }
0xad: {  	[dreg:$0x0] =	wrdreg $0x60  }
0xae: {  	[dreg:$0x2] =	wrdreg s24  }
0xaf: {  	[dreg:$0x3] =	wrdreg s2  }
0xb0: {  	[dreg:$0x4] =	wrdreg $0x90000  }
0xb1: {  	[dreg:$0x5] =	wrdreg $0x155800  }
0xb2: {  	[dreg:$0x6] =	wrdreg $0x9  }
0xb3: {  	_ =	task.clear_ibuf [dreg:s7], $0x7FFFF;
	_ =	strace $0x90000046  }
0xb4: {  	s29 =	simm.s32 $0x9;
	_ =	strace $0x80000048  }
0xb5: {  	_ =	swait.ge [sflag:s29], $0x1  }
0xb6: {  	[sflag:s29] =	ssyncadd.s32 $0xFFFFFFFF  }
0xb7: {  	_ =	strace $0x90000048  }
0xb8: {  	_ =	sfence  }
0xb9: {  	s30 =	sld [smem:$0x0];
	_ =	sdelay $0x2  }
0xba: {  	s31 =	sshll.u32 s1, $0xD;
	s1 =	sshrl.u32 s1, $0x2  }
0xbb: {  	s3 =	sand.u32 $0x4000, s31;
	s1 =	sadd.s32 s1, s30  }
0xbc: {  	s0 =	sor.u32 s3, s0;
	s1 =	sshll.u32 s1, $0x11  }
0xbd: {  	s0 =	sor.u32 s1, s0  }
0xbe: {  	s0 =	sadd.s32 $0x8F2B, s0  }
0xbf: {  	[sflag:s0] =	ssyncadd.remote.s32 $0x1  }
0xc0: {  	_ =	sfence.sel $0xFFFF  }
0xc1: {  	[dreg:$0x0] =	wrdreg $0xFFFFFFFF;
	(pc) =	sbr.abs _section_cstart, $3  }
0xc2: {  	[dreg:$0x1] =	wrdreg $0xFFFFFFFF  }
0xc3: {  	_ =	task.clear_ibuf [dreg:s7], $0x2FFFF;
	_ =	strace $0x9FFFFFFF  }
0xc4: {  	(tm) =	ssettm $0x7FFFFFFF  }
0xc5: {  	_ =	shalt  }
tec
execute0_lowered:
.L_overlay_start_1:
0x0: {  	(tag) =	ssettag $0x1  }
0x1: {  	s6 =	rddreg [dreg:$0x0]  }
0x2: {  	s0 =	stileid.u32;
	s3 =	rddreg [dreg:$0x2]  }
0x3: {  	s1 =	srdreg.scid;
	s4 =	rddreg [dreg:$0x3]  }
0x4: {  	s5 =	simm.s32 $0x0;
	s14 =	simm.s32 $0x2800;
	s18 =	simm.s32 $0x12E00  }
0x5: {  	s19 =	simm.s32 $0x80;
	s20 =	simm.s32 $0x5000;
	s21 =	simm.s32 $0x1  }
0x6: {  	s22 =	simm.s32 $0x7000;
	s23 =	simm.s32 $0x2;
	s24 =	simm.s32 $0x2880  }
0x7: {  	s25 =	simm.s32 $0x3;
	s26 =	simm.s32 $0x100;
	s28 =	simm.s32 $0x4  }
0x8: {  	s29 =	simm.s32 $0x0;
	s7 =	sand.u32 $0x1, s1;
	s9 =	smul.u32 $0x9E00, s0  }
0x9: {  	s2 =	sshll.u32 s0, $0x1;
	s1 =	rddreg [dreg:$0x1];
	s13 =	smul.u32 $0x2780, s0  }
0xa: {  	[smem:$0x7FF] =	sst s5;
	s15 =	sshll.u32 s0, $0x6;
	s10 =	smul.u32 $0x9E000, s7  }
0xb: {  	s2 =	sor.u32 s7, s2;
	s11 =	smul.u32 $0x27800, s7;
	_ =	strace $0x80000047  }
0xc: {  	s7 =	ssub.s32 $0x2, s7;
	s15 =	sor.u32 $0x1C05, s15;
	s8 =	smul.u32 $0x500, s2  }
0xd: {  	s12 =	sshrl.u32 s9, $0x3;
	s30 =	sshrl.u32 s7, $0x1;
	s16 =	sadd.s32 s9, s3  }
0xe: {  	s17 =	sadd.s32 s9, s4;
	s12 =	sadd.s32 s12, s6;
	s10 =	sadd.s32 s9, s10  }
0xf: {  	s11 =	sadd.s32 s13, s11;
	s31 =	ssub.s32 s7, s30;
	s13 =	simm.s32 $0x5  }
.Ltmp0:
0x10: {  	s16 =	sshrl.u32 s16, $0x3;
	s17 =	sshrl.u32 s17, $0x3;
	(pc) =	sbr.rel .LBB2_1-.Ltmp0, $4  }
0x11: {  	s8 =	sadd.s32 s8, s6;
	s10 =	sshrl.u32 s10, $0x3;
	s11 =	sshrl.u32 s11, $0x3  }
0x12: {  	s9 =	sadd.s32 $0x1000, s12;
	s10 =	sadd.s32 s10, s6;
	s11 =	sadd.s32 s11, s6  }
0x13: {  	s6 =	sadd.s32 $0x1EC00, s8;
	s7 =	sadd.s32 $0x14C00, s8;
	s8 =	sadd.s32 $0x28C00, s12  }
0x14: {  	v0 =	vimm.f32 $1.000000000e+00;
	s12 =	smax.u32 s31, $0x1;
	s10 =	sadd.s32 $0x46600, s10;
	s11 =	sadd.s32 $0x3C800, s11  }
.LBB2_4:
0x15: {  	_ =	swait.ge [sflag:s28], $0x2000  }
0x16: {  	[sflag:s28] =	ssyncset.done $0x0  }
0x17: {  	[sflag:s28] =	ssyncadd.s32 $0xFFFFE000  }
0x18: {  	[bflag:$0x0] =	sbarrier.arrive $0xFFFF  }
0x19: {  	[hbm:s10], [sflag:s15] =	dma.local [spmem:s16], $0x13C0  }
0x1a: {  	s29 =	sadd.s32 $0x1, s29;
	_ =	swait.ge [sflag:s13], $0x13C0  }
0x1b: {  	p0 =	sne.s32 s29, s12;
	[sflag:s13] =	ssyncset.done $0x0  }
.Ltmp1:
0x1c: {  	[sflag:s13] =	ssyncadd.s32 $0xFFFFEC40;
	(pc) =	sbr.rel @!p0 .LBB2_5-.Ltmp1, $4  }
0x1d: {  	[hbm4b:s11+s5] =	stream.linear.scatter [tilespmem:s18], [sflag:$0x5], $0x2780, $0x38;
	[tilespmem:$0x1F380] =	vst v63  }
0x1e: {  	_ =	swait.ge [sflag:s13], $0x2780  }
0x1f: {  	[sflag:s13] =	ssyncset.done $0x0  }
0x20: {  	[sflag:s13] =	ssyncadd.s32 $0xFFFFD880  }
.LBB2_1:
0x21: {  	[tilespmem:s5], [sflag:$0x5] =	stream.linear.gather [hbm4b:s6+s5], $0x2800, $0x38;
	[tilespmem:$0x1F380] =	vst v63  }
0x22: {  	_ =	swait.ge [sflag:s13], $0x2800  }
0x23: {  	[sflag:s13] =	ssyncset.done $0x0  }
0x24: {  	[sflag:s13] =	ssyncadd.s32 $0xFFFFD800  }
0x25: {  	[tilespmem:s14], [sflag:$0x5] =	stream.linear.gather [hbm4b:s7+s5], $0x2800, $0x38;
	[tilespmem:$0x1F380] =	vst v63  }
0x26: {  	_ =	swait.ge [sflag:s13], $0x2800  }
0x27: {  	[sflag:s13] =	ssyncset.done $0x0  }
0x28: {  	[sflag:s13] =	ssyncadd.s32 $0xFFFFD800  }
0x29: {  	[spmem:s16], [sflag:s15] =	dma.local [hbm:s8], $0x13C0  }
0x2a: {  	_ =	swait.ge [sflag:s13], $0x13C0  }
0x2b: {  	[sflag:s13] =	ssyncset.done $0x0  }
0x2c: {  	[sflag:s13] =	ssyncadd.s32 $0xFFFFEC40  }
0x2d: {  	[spmem:s17], [sflag:s15] =	dma.local [hbm:s9], $0x13C0  }
0x2e: {  	_ =	swait.ge [sflag:s13], $0x13C0  }
0x2f: {  	[sflag:s13] =	ssyncset.done $0x0  }
0x30: {  	[sflag:s13] =	ssyncadd.s32 $0xFFFFEC40  }
0x31: {  	[tilespmem:s18], [sflag:$0x5] =	stream.linear.gather [hbm4b:s1+s5], $0x2780, $0x38;
	[tilespmem:$0x1F380] =	vst v63  }
0x32: {  	_ =	swait.ge [sflag:s13], $0x2780  }
0x33: {  	[sflag:s13] =	ssyncset.done $0x0  }
0x34: {  	[sflag:s13] =	ssyncadd.s32 $0xFFFFD880  }
0x35: {  	[bflag:$0x0] =	sbarrier.arrive $0xFFFF  }
0x36: {  	[tilespmem:s20], [sflag:$0x1] =	stream.indirect.gather [spmem:s4], $0x40, s5, s19, $0xb8;
	[tilespmem:$0x1F380] =	vst v63  }
0x37: {  	_ =	swait.ge [sflag:s21], $0x2000  }
0x38: {  	[sflag:s21] =	ssyncset.done $0x0  }
0x39: {  	[sflag:s21] =	ssyncadd.s32 $0xFFFFE000  }
0x3a: {  	[spmem:s3] =	stream.indirect.scatter.add.f32 [tilespmem:s20], [sflag:$0x3], $0x40, s14, s19, $0xb8;
	[tilespmem:$0x1F380] =	vst v63  }
0x3b: {  	v1 =	vld [tilespmem:$0x2800];
	_ =	sdelay $0x7  }
0x3c: {  	[tilespmem:v1+s18+$0x0] =	vst.idx.add.f32.msk $0xffff, v0  }
0x3d: {  	v1 =	vld [tilespmem:$0x2810];
	_ =	sdelay $0x7  }
0x3e: {  	[tilespmem:v1+s18+$0x0] =	vst.idx.add.f32.msk $0xffff, v0  }
0x3f: {  	v1 =	vld [tilespmem:$0x2820];
	_ =	sdelay $0x7  }
0x40: {  	[tilespmem:v1+s18+$0x0] =	vst.idx.add.f32.msk $0xffff, v0  }
0x41: {  	v1 =	vld [tilespmem:$0x2830];
	_ =	sdelay $0x7  }
0x42: {  	[tilespmem:v1+s18+$0x0] =	vst.idx.add.f32.msk $0xffff, v0  }
0x43: {  	v1 =	vld [tilespmem:$0x2840];
	_ =	sdelay $0x7  }
0x44: {  	[tilespmem:v1+s18+$0x0] =	vst.idx.add.f32.msk $0xffff, v0  }
0x45: {  	v1 =	vld [tilespmem:$0x2850];
	_ =	sdelay $0x7  }
0x46: {  	[tilespmem:v1+s18+$0x0] =	vst.idx.add.f32.msk $0xffff, v0  }
0x47: {  	v1 =	vld [tilespmem:$0x2860];
	_ =	sdelay $0x7  }
0x48: {  	[tilespmem:v1+s18+$0x0] =	vst.idx.add.f32.msk $0xffff, v0  }
0x49: {  	v1 =	vld [tilespmem:$0x2870];
	_ =	sdelay $0x7  }
0x4a: {  	[tilespmem:v1+s18+$0x0] =	vst.idx.add.f32.msk $0xffff, v0  }
0x4b: {  	[tilespmem:s22], [sflag:$0x2] =	stream.indirect.gather [spmem:s4], $0x40, s19, s19, $0xb8;
	[tilespmem:$0x1F380] =	vst v63  }
0x4c: {  	_ =	swait.ge [sflag:s23], $0x2000  }
0x4d: {  	[sflag:s23] =	ssyncset.done $0x0  }
0x4e: {  	[sflag:s23] =	ssyncadd.s32 $0xFFFFE000  }
0x4f: {  	[spmem:s3] =	stream.indirect.scatter.add.f32 [tilespmem:s22], [sflag:$0x4], $0x40, s24, s19, $0xb8;
	[tilespmem:$0x1F380] =	vst v63  }
0x50: {  	v1 =	vld [tilespmem:$0x2880];
	_ =	sdelay $0x7  }
0x51: {  	[tilespmem:v1+s18+$0x0] =	vst.idx.add.f32.msk $0xffff, v0  }
0x52: {  	v1 =	vld [tilespmem:$0x2890];
	_ =	sdelay $0x7  }
0x53: {  	[tilespmem:v1+s18+$0x0] =	vst.idx.add.f32.msk $0xffff, v0  }
0x54: {  	v1 =	vld [tilespmem:$0x28A0];
	_ =	sdelay $0x7  }
0x55: {  	[tilespmem:v1+s18+$0x0] =	vst.idx.add.f32.msk $0xffff, v0  }
0x56: {  	v1 =	vld [tilespmem:$0x28B0];
	_ =	sdelay $0x7  }
0x57: {  	[tilespmem:v1+s18+$0x0] =	vst.idx.add.f32.msk $0xffff, v0  }
0x58: {  	v1 =	vld [tilespmem:$0x28C0];
	_ =	sdelay $0x7  }
0x59: {  	[tilespmem:v1+s18+$0x0] =	vst.idx.add.f32.msk $0xffff, v0  }
0x5a: {  	v1 =	vld [tilespmem:$0x28D0];
	_ =	sdelay $0x7  }
0x5b: {  	[tilespmem:v1+s18+$0x0] =	vst.idx.add.f32.msk $0xffff, v0  }
0x5c: {  	v1 =	vld [tilespmem:$0x28E0];
	_ =	sdelay $0x7  }
0x5d: {  	[tilespmem:v1+s18+$0x0] =	vst.idx.add.f32.msk $0xffff, v0  }
0x5e: {  	v1 =	vld [tilespmem:$0x28F0];
	_ =	sdelay $0x7  }
0x5f: {  	[tilespmem:v1+s18+$0x0] =	vst.idx.add.f32.msk $0xffff, v0  }
0x60: {  	_ =	swait.ge [sflag:s25], $0x2000  }
0x61: {  	[sflag:s25] =	ssyncset.done $0x0  }
0x62: {  	s30 =	simm.s32 $0x0;
	[sflag:s25] =	ssyncadd.s32 $0xFFFFE000  }
0x63: {  	[tilespmem:s20], [sflag:$0x1] =	stream.indirect.gather [spmem:s4], $0x40, s26, s19, $0xb8;
	[tilespmem:$0x1F380] =	vst v63  }
.LBB2_2:
0x64: {  	_ =	swait.ge [sflag:s21], $0x2000  }
0x65: {  	s31 =	sshra.s32 s30, $0x2;
	[sflag:s21] =	ssyncset.done $0x0  }
0x66: {  	s2 =	sadd.s32 $0x2900, s31;
	[sflag:s21] =	ssyncadd.s32 $0xFFFFE000  }
0x67: {  	[spmem:s3] =	stream.indirect.scatter.add.f32 [tilespmem:s20], [sflag:$0x3], $0x40, s2, s19, $0xb8;
	[tilespmem:$0x1F380] =	vst v63  }
0x68: {  	v1 =	vld [tilespmem:s31+$0x2900];
	_ =	sdelay $0x7  }
0x69: {  	[tilespmem:v1+s18+$0x0] =	vst.idx.add.f32.msk $0xffff, v0  }
0x6a: {  	v1 =	vld [tilespmem:s31+$0x2910];
	_ =	sdelay $0x7  }
0x6b: {  	[tilespmem:v1+s18+$0x0] =	vst.idx.add.f32.msk $0xffff, v0  }
0x6c: {  	v1 =	vld [tilespmem:s31+$0x2920];
	_ =	sdelay $0x7  }
0x6d: {  	[tilespmem:v1+s18+$0x0] =	vst.idx.add.f32.msk $0xffff, v0  }
0x6e: {  	v1 =	vld [tilespmem:s31+$0x2930];
	_ =	sdelay $0x7  }
0x6f: {  	[tilespmem:v1+s18+$0x0] =	vst.idx.add.f32.msk $0xffff, v0  }
0x70: {  	v1 =	vld [tilespmem:s31+$0x2940];
	_ =	sdelay $0x7  }
0x71: {  	[tilespmem:v1+s18+$0x0] =	vst.idx.add.f32.msk $0xffff, v0  }
0x72: {  	v1 =	vld [tilespmem:s31+$0x2950];
	_ =	sdelay $0x7  }
0x73: {  	[tilespmem:v1+s18+$0x0] =	vst.idx.add.f32.msk $0xffff, v0  }
0x74: {  	v1 =	vld [tilespmem:s31+$0x2960];
	_ =	sdelay $0x7  }
0x75: {  	[tilespmem:v1+s18+$0x0] =	vst.idx.add.f32.msk $0xffff, v0  }
0x76: {  	v1 =	vld [tilespmem:s31+$0x2970];
	_ =	sdelay $0x7  }
0x77: {  	[tilespmem:v1+s18+$0x0] =	vst.idx.add.f32.msk $0xffff, v0  }
0x78: {  	_ =	swait.ge [sflag:s28], $0x2000  }
0x79: {  	[sflag:s28] =	ssyncset.done $0x0  }
0x7a: {  	s2 =	sadd.s32 $0x180, s31;
	[sflag:s28] =	ssyncadd.s32 $0xFFFFE000  }
0x7b: {  	[tilespmem:s22], [sflag:$0x2] =	stream.indirect.gather [spmem:s4], $0x40, s2, s19, $0xb8;
	[tilespmem:$0x1F380] =	vst v63  }
0x7c: {  	_ =	swait.ge [sflag:s23], $0x2000  }
0x7d: {  	[sflag:s23] =	ssyncset.done $0x0  }
0x7e: {  	s2 =	sadd.s32 $0x2980, s31;
	[sflag:s23] =	ssyncadd.s32 $0xFFFFE000  }
0x7f: {  	[spmem:s3] =	stream.indirect.scatter.add.f32 [tilespmem:s22], [sflag:$0x4], $0x40, s2, s19, $0xb8;
	[tilespmem:$0x1F380] =	vst v63  }
0x80: {  	v1 =	vld [tilespmem:s31+$0x2980];
	_ =	sdelay $0x7  }
0x81: {  	[tilespmem:v1+s18+$0x0] =	vst.idx.add.f32.msk $0xffff, v0  }
0x82: {  	v1 =	vld [tilespmem:s31+$0x2990];
	_ =	sdelay $0x7  }
0x83: {  	[tilespmem:v1+s18+$0x0] =	vst.idx.add.f32.msk $0xffff, v0  }
0x84: {  	v1 =	vld [tilespmem:s31+$0x29A0];
	_ =	sdelay $0x7  }
0x85: {  	[tilespmem:v1+s18+$0x0] =	vst.idx.add.f32.msk $0xffff, v0  }
0x86: {  	v1 =	vld [tilespmem:s31+$0x29B0];
	_ =	sdelay $0x7  }
0x87: {  	[tilespmem:v1+s18+$0x0] =	vst.idx.add.f32.msk $0xffff, v0  }
0x88: {  	v1 =	vld [tilespmem:s31+$0x29C0];
	_ =	sdelay $0x7  }
0x89: {  	[tilespmem:v1+s18+$0x0] =	vst.idx.add.f32.msk $0xffff, v0  }
0x8a: {  	v1 =	vld [tilespmem:s31+$0x29D0];
	_ =	sdelay $0x7  }
0x8b: {  	[tilespmem:v1+s18+$0x0] =	vst.idx.add.f32.msk $0xffff, v0  }
0x8c: {  	v1 =	vld [tilespmem:s31+$0x29E0];
	_ =	sdelay $0x7  }
0x8d: {  	[tilespmem:v1+s18+$0x0] =	vst.idx.add.f32.msk $0xffff, v0  }
0x8e: {  	v1 =	vld [tilespmem:s31+$0x29F0];
	_ =	sdelay $0x5  }
0x8f: {  	p0 =	seq.s32 s30, $0x9800  }
.Ltmp2:
0x90: {  	_ = 	snop;
	(pc) =	sbr.rel @p0 .LBB2_4-.Ltmp2, $4  }
0x91: {  	[tilespmem:v1+s18+$0x0] =	vst.idx.add.f32.msk $0xffff, v0  }
0x92: {  	_ =	swait.ge [sflag:s25], $0x2000  }
0x93: {  	[sflag:s25] =	ssyncset.done $0x0  }
0x94: {  	[sflag:s25] =	ssyncadd.s32 $0xFFFFE000  }
.Ltmp3:
0x95: {  	(pc) =	sbr.rel .LBB2_2-.Ltmp3, $3  }
0x96: {  	_ =	sdelay $0x1  }
0x97: {  	s2 =	sadd.s32 $0x200, s31;
	s30 =	sadd.s32 $0x400, s30  }
0x98: {  	[tilespmem:s20], [sflag:$0x1] =	stream.indirect.gather [spmem:s4], $0x40, s2, s19, $0xb8;
	[tilespmem:$0x1F380] =	vst v63  }
.LBB2_5:
0x99: {  	_ =	sfence.sel $0x180000  }
0x9a: {  	[bflag:$0x0] =	sbarrier.arrive $0xFFFF  }
0x9b: {  	_ =	strace $0x90000047  }
0x9c: {  	[bflag:$0x2] =	sbarrier.arrive $0xFFFF  }
0x9d: {  	p0 =	sne.s32 s0, $0x0;
	s0 =	rddreg [dreg:$0x4]  }
0x9e: {  	s0 =	sadd.s32 @!p0 $0x100000, s0  }
0x9f: {  	[sflag:s0] =	ssyncadd.tile.s32 @!p0 $0x1;
	_ =	shalt  }
.Lfunc_end2:
_tile_overlayer_lowered:
.L_overlay_start_2:
0xa0: {  	(tag) =	ssettag $0x2  }
0xa1: {  	s0 =	rddreg [dreg:$0x0];
	s2 =	stileid.u32  }
0xa2: {  	s1 =	rddreg [dreg:$0x1];
	p0 =	sne.s32 s2, $0x0  }
0xa3: {  	s3 =	rddreg [dreg:$0x2];
	[bflag:$0x3] =	sbarrier.arrive $0xFFFF;
	s2 =	simm.s32 @!p0 $0x1C05  }
0xa4: {  	[timem:s3], [sflag:s2] =	dma.local @!p0 [hbm:s0], s1  }
0xa5: {  	s0 =	simm.s32 @!p0 $0x5  }
0xa6: {  	_ =	swait.ge @!p0 [sflag:s0], s1  }
0xa7: {  	s1 =	ssub.s32 @!p0 $0x0, s1;
	[sflag:s0] =	ssyncset.done @!p0 $0x0  }
0xa8: {  	[sflag:s0] =	ssyncadd.s32 @!p0 s1  }
0xa9: {  	[bflag:$0x3] =	sbarrier.arrive $0xFFFF  }
0xaa: {  	_ =	shalt  }

</sc_bundles>
